<compile_context>
chip_gen: v7x
topology: tpu7x:2x2x1
jax: 0.10.2.dev20260603
libtpu: 0.0.44.dev20260713+nightly
codegen_flags: <defaults>
</compile_context>

<pallas_src>
import functools

import jax
import jax.numpy as jnp
from jax import lax
from jax.experimental import pallas as pl
from jax.experimental.pallas import tpu as pltpu
from jax.experimental.pallas import tpu_sc as plsc

N = 10000
E = 320000
CH = 128
R = 8

NC = 2
NS = 16
NW = NC * NS

C = 128
KCH = 80
STAGES = 2
CPS = KCH // STAGES
EPT = KCH * C
E_PAD = NW * EPT
N_ACC = 10240
ROWS_PER_TILE = N_ACC // NS


def _transform_body(x_ref, w_ref, ei_ref, et_ref, o_ref, row_ref, flat_ref):
    for r in range(R):
        o_ref[r] = jnp.dot(x_ref[...], w_ref[r],
                           preferred_element_type=jnp.float32)

    @pl.when(pl.program_id(0) == 0)
    def _():
        row_ref[pl.ds(0, E // C)] = ei_ref[0]
        flat_ref[pl.ds(0, E // C)] = et_ref[...] * N + ei_ref[1]
        lane = lax.broadcasted_iota(jnp.int32, ((E_PAD - E) // C, C), 1)
        row_ref[pl.ds(E // C, (E_PAD - E) // C)] = N + lane
        flat_ref[pl.ds(E // C, (E_PAD - E) // C)] = lane


def _combine_body(p_ref, b_ref, o_ref):
    o_ref[...] = p_ref[0] + p_ref[1] + b_ref[...]


def _sc_body(xt_hbm, row_hbm, flat_hbm, z_hbm, out_hbm,
             row_v, flat_v, msg0, msg1, acc, sem0, sem1, sem0b, sem1b):
    cid = lax.axis_index("c")
    sid = lax.axis_index("s")
    wid = cid * NS + sid
    base = wid * KCH

    pltpu.sync_copy(z_hbm.at[pl.ds(sid * ROWS_PER_TILE, ROWS_PER_TILE)],
                    acc.at[pl.ds(sid * ROWS_PER_TILE, ROWS_PER_TILE)])
    plsc.subcore_barrier()

    msgs = (msg0, msg1)
    sems = (sem0, sem1)
    sems_b = (sem0b, sem1b)
    H = C // 2

    def gather(j, b):
        pltpu.async_copy(xt_hbm.at[flat_v.at[j, pl.ds(0, H)]],
                         msgs[b].at[pl.ds(0, H)], sems[b])
        pltpu.async_copy(xt_hbm.at[flat_v.at[j, pl.ds(H, H)]],
                         msgs[b].at[pl.ds(H, H)], sems_b[b])

    def gather_wait(j, b):
        pltpu.make_async_copy(xt_hbm.at[flat_v.at[j, pl.ds(0, H)]],
                              msgs[b].at[pl.ds(0, H)], sems[b]).wait()
        pltpu.make_async_copy(xt_hbm.at[flat_v.at[j, pl.ds(H, H)]],
                              msgs[b].at[pl.ds(H, H)], sems_b[b]).wait()

    for s in range(STAGES):
        pltpu.sync_copy(row_hbm.at[pl.ds(base + s * CPS, CPS)], row_v)
        pltpu.sync_copy(flat_hbm.at[pl.ds(base + s * CPS, CPS)], flat_v)

        gather(0, 0)
        gather(1, 1)

        def outer(i, carry):
            for b in range(2):
                j = i * 2 + b
                gather_wait(j, b)
                pltpu.sync_copy(msgs[b], acc.at[row_v.at[j]], add=True)

                @pl.when(j + 2 < CPS)
                def _():
                    gather(j + 2, b)
            return carry

        lax.fori_loop(0, CPS // 2, outer, 0)
    plsc.subcore_barrier()

    pltpu.sync_copy(acc.at[pl.ds(sid * ROWS_PER_TILE, ROWS_PER_TILE)],
                    out_hbm.at[cid, pl.ds(sid * ROWS_PER_TILE, ROWS_PER_TILE)])


_sc_gather_scatter = functools.partial(
    pl.kernel,
    mesh=plsc.VectorSubcoreMesh(core_axis_name="c", subcore_axis_name="s"),
    out_type=jax.ShapeDtypeStruct((NC, N_ACC, CH), jnp.float32),
    scratch_types=[
        pltpu.VMEM((CPS, C), jnp.int32),
        pltpu.VMEM((CPS, C), jnp.int32),
        pltpu.VMEM((C, CH), jnp.float32),
        pltpu.VMEM((C, CH), jnp.float32),
        pltpu.VMEM_SHARED((N_ACC, CH), jnp.float32),
        pltpu.SemaphoreType.DMA,
        pltpu.SemaphoreType.DMA,
        pltpu.SemaphoreType.DMA,
        pltpu.SemaphoreType.DMA,
    ],
)(_sc_body)


@jax.jit
def kernel(x, edge_index, edge_type, weight, bias):
    ei3 = edge_index.reshape(2, E // C, C)
    et2 = edge_type.reshape(E // C, C)
    xt, row2d, flat2d = pl.pallas_call(
        _transform_body,
        grid=(10,),
        in_specs=[
            pl.BlockSpec((N // 10, CH), lambda j: (j, 0)),
            pl.BlockSpec((R, CH, CH), lambda j: (0, 0, 0)),
            pl.BlockSpec((2, E // C, C), lambda j: (0, 0, 0)),
            pl.BlockSpec((E // C, C), lambda j: (0, 0)),
        ],
        out_specs=[
            pl.BlockSpec((R, N // 10, CH), lambda j: (0, j, 0)),
            pl.BlockSpec((E_PAD // C, C), lambda j: (0, 0)),
            pl.BlockSpec((E_PAD // C, C), lambda j: (0, 0)),
        ],
        out_shape=[
            jax.ShapeDtypeStruct((R, N, CH), jnp.float32),
            jax.ShapeDtypeStruct((E_PAD // C, C), jnp.int32),
            jax.ShapeDtypeStruct((E_PAD // C, C), jnp.int32),
        ],
    )(x, weight, ei3, et2)
    xt_flat = xt.reshape(R * N, CH)

    zeros = jnp.zeros((N_ACC, CH), jnp.float32)
    partials = _sc_gather_scatter(xt_flat, row2d, flat2d, zeros)

    out = pl.pallas_call(
        _combine_body,
        grid=(10,),
        in_specs=[
            pl.BlockSpec((NC, N // 10, CH), lambda j: (0, j, 0)),
            pl.BlockSpec((1, CH), lambda j: (0, 0)),
        ],
        out_specs=pl.BlockSpec((N // 10, CH), lambda j: (j, 0)),
        out_shape=jax.ShapeDtypeStruct((N, CH), jnp.float32),
    )(partials, bias.reshape(1, CH))
    return out

# --- scband reference (transcript-rebuilt; emitter-appended) ---
"""Pipeline reference for scband-fast-rgcnconv-56573309223583 (READ-ONLY COPY).

The authoritative reference and input builder live on the scoring server;
editing this copy changes nothing except your own understanding.
"""

import jax, jax.numpy as jnp
import numpy as np
import math

N_NODES = 10000
N_EDGES = 320000
IN_CH = 128
OUT_CH = 128
N_REL = 8


def setup_inputs(seed: int = 0) -> dict:
    key = jax.random.key(seed)
    k1, k2, k3, k4 = jax.random.split(key, 4)
    x = jax.random.normal(k1, (N_NODES, IN_CH), dtype=jnp.float32)
    edge_index = jax.random.randint(k2, (2, N_EDGES), 0, N_NODES, dtype=jnp.int32)
    edge_type = jax.random.randint(k3, (N_EDGES,), 0, N_REL, dtype=jnp.int32)
    # xavier_uniform over (num_relations, in_channels, out_channels):
    # torch fan_in = in_ch * out_ch? For 3D tensor torch uses fan_in = size(1)*recept, fan_out = size(0)*recept.
    fan_in = IN_CH * OUT_CH
    fan_out = N_REL * OUT_CH
    bound = math.sqrt(6.0 / (fan_in + fan_out))
    weight = jax.random.uniform(k4, (N_REL, IN_CH, OUT_CH), dtype=jnp.float32, minval=-bound, maxval=bound)
    bias = jnp.zeros((OUT_CH,), dtype=jnp.float32)
    return {"x": x, "edge_index": edge_index, "edge_type": edge_type, "weight": weight, "bias": bias}


def reference(x, edge_index, edge_type, weight, bias):
    # x_expanded [R, N, in] bmm weight [R, in, out] -> x_transformed [R, N, out]
    x_transformed = jnp.einsum('ni,rio->rno', x, weight)
    row = edge_index[0]
    col = edge_index[1]
    # messages[e] = x_transformed[edge_type[e], col[e]]  (same math as the per-relation masked loop)
    messages = x_transformed[edge_type, col]
    out = jnp.zeros((x.shape[0], weight.shape[2]), dtype=x.dtype).at[row].add(messages)
    out = out + bias
    return out

if __name__ == "__main__":
    import jax
    _d = setup_inputs()
    print(jax.jit(kernel)(*tuple(_d.values())))

</pallas_src>

<mosaic_0001>
#map = affine_map<(d0, d1) -> (0, 0)>
#map1 = affine_map<(d0, d1) -> (0, 0, 0)>
module attributes {stable_mosaic.version = 14 : i64} {
  func.func @_sc_body(%arg0: i32, %arg1: i32, %arg2: memref<80000x128xf32, #tpu.memory_space<hbm>>, %arg3: memref<2560x128xi32, #tpu.memory_space<hbm>>, %arg4: memref<2560x128xi32, #tpu.memory_space<hbm>>, %arg5: memref<10240x128xf32, #tpu.memory_space<hbm>>, %arg6: memref<2x10240x128xf32, #tpu.memory_space<hbm>>, %arg7: memref<40x128xi32, #tpu.memory_space<vmem>>, %arg8: memref<40x128xi32, #tpu.memory_space<vmem>>, %arg9: memref<128x128xf32, #tpu.memory_space<vmem>>, %arg10: memref<128x128xf32, #tpu.memory_space<vmem>>, %arg11: memref<10240x128xf32, #tpu.memory_space<vmem_shared>>, %arg12: memref<!tpu.dma_semaphore, #tpu.memory_space<semaphore_mem>>, %arg13: memref<!tpu.dma_semaphore, #tpu.memory_space<semaphore_mem>>, %arg14: memref<!tpu.dma_semaphore, #tpu.memory_space<semaphore_mem>>, %arg15: memref<!tpu.dma_semaphore, #tpu.memory_space<semaphore_mem>>) attributes {dimension_semantics = [#tpu.dimension_semantics<core_parallel>, #tpu.dimension_semantics<subcore_parallel>], iteration_bounds = array<i64: 2, 16>, scalar_prefetch = 0 : i64, scratch_operands = 9 : i64, tpu.core_type = #tpu.core_type<sc_vector_subcore>, window_params = [{transform_indices = #map}, {transform_indices = #map}, {transform_indices = #map}, {transform_indices = #map}, {transform_indices = #map1}]} {
    %mul3A = arith.constant 16 : i32
    %mul3A_0 = arith.muli %arg0, %mul3A : i32
    %add3A = arith.addi %mul3A_0, %arg1 : i32
    %mul3A_1 = arith.constant 80 : i32
    %mul3A_2 = arith.muli %add3A, %mul3A_1 : i32
    %mul3A_3 = arith.constant 640 : i32
    %mul3A_4 = arith.muli %arg1, %mul3A_3 : i32
    %mul3A_5 = arith.constant 640 : i32
    %mul3A_6 = arith.muli %arg1, %mul3A_5 : i32
    "tpu.region"() ({
      %run_scoped3A = tpu.sem_alloc : memref<!tpu.dma_semaphore, #tpu.memory_space<semaphore_mem>>
      %dma_start3A_110 = arith.constant 0 : i32
      %dma_start3A_111 = tpu.memref_slice %arg11[%mul3A_6, %dma_start3A_110] : memref<10240x128xf32, #tpu.memory_space<vmem_shared>> -> memref<640x128xf32, #tpu.memory_space<vmem_shared>>
      %dma_start3A_112 = arith.constant 0 : i32
      %dma_start3A_113 = tpu.memref_slice %arg5[%mul3A_4, %dma_start3A_112] : memref<10240x128xf32, #tpu.memory_space<hbm>> -> memref<640x128xf32, #tpu.memory_space<hbm>>
      tpu.enqueue_dma source(%dma_start3A_113 : memref<640x128xf32, #tpu.memory_space<hbm>>) target(%dma_start3A_111 : memref<640x128xf32, #tpu.memory_space<vmem_shared>>) target_semaphore(%run_scoped3A : memref<!tpu.dma_semaphore, #tpu.memory_space<semaphore_mem>>)
      %dma_wait3A = arith.constant 0 : i32
      %dma_wait3A_114 = tpu.memref_slice %arg11[%mul3A_6, %dma_wait3A] : memref<10240x128xf32, #tpu.memory_space<vmem_shared>> -> memref<640x128xf32, #tpu.memory_space<vmem_shared>>
      %dma_wait3A_115 = arith.constant 0 : i32
      %dma_wait3A_116 = tpu.memref_slice %arg5[%mul3A_4, %dma_wait3A_115] : memref<10240x128xf32, #tpu.memory_space<hbm>> -> memref<640x128xf32, #tpu.memory_space<hbm>>
      tpu.wait_dma2 semaphore(%run_scoped3A : memref<!tpu.dma_semaphore, #tpu.memory_space<semaphore_mem>>) src(%dma_wait3A_116 : memref<640x128xf32, #tpu.memory_space<hbm>>) dst(%dma_wait3A_114 : memref<640x128xf32, #tpu.memory_space<vmem_shared>>)
      tpu.yield
    }) : () -> ()
    %barrier3A = arith.constant 0 : index
    tpu.barrier barrier_id(%barrier3A)
    %add3A_7 = arith.constant 0 : i32
    %add3A_8 = arith.addi %mul3A_2, %add3A_7 : i32
    "tpu.region"() ({
      %run_scoped3A = tpu.sem_alloc : memref<!tpu.dma_semaphore, #tpu.memory_space<semaphore_mem>>
      %dma_start3A_110 = arith.constant 0 : i32
      %dma_start3A_111 = tpu.memref_slice %arg3[%add3A_8, %dma_start3A_110] : memref<2560x128xi32, #tpu.memory_space<hbm>> -> memref<40x128xi32, #tpu.memory_space<hbm>>
      %dma_start3A_112 = arith.constant 0 : i32
      %dma_start3A_113 = tpu.memref_slice %arg3[%add3A_8, %dma_start3A_112] : memref<2560x128xi32, #tpu.memory_space<hbm>> -> memref<40x128xi32, #tpu.memory_space<hbm>>
      tpu.enqueue_dma source(%dma_start3A_113 : memref<40x128xi32, #tpu.memory_space<hbm>>) target(%arg7 : memref<40x128xi32, #tpu.memory_space<vmem>>) target_semaphore(%run_scoped3A : memref<!tpu.dma_semaphore, #tpu.memory_space<semaphore_mem>>)
      %dma_wait3A = arith.constant 0 : i32
      %dma_wait3A_114 = tpu.memref_slice %arg3[%add3A_8, %dma_wait3A] : memref<2560x128xi32, #tpu.memory_space<hbm>> -> memref<40x128xi32, #tpu.memory_space<hbm>>
      %dma_wait3A_115 = arith.constant 0 : i32
      %dma_wait3A_116 = tpu.memref_slice %arg3[%add3A_8, %dma_wait3A_115] : memref<2560x128xi32, #tpu.memory_space<hbm>> -> memref<40x128xi32, #tpu.memory_space<hbm>>
      tpu.wait_dma2 semaphore(%run_scoped3A : memref<!tpu.dma_semaphore, #tpu.memory_space<semaphore_mem>>) src(%dma_wait3A_116 : memref<40x128xi32, #tpu.memory_space<hbm>>) dst(%arg7 : memref<40x128xi32, #tpu.memory_space<vmem>>)
      tpu.yield
    }) : () -> ()
    %add3A_9 = arith.constant 0 : i32
    %add3A_10 = arith.addi %mul3A_2, %add3A_9 : i32
    "tpu.region"() ({
      %run_scoped3A = tpu.sem_alloc : memref<!tpu.dma_semaphore, #tpu.memory_space<semaphore_mem>>
      %dma_start3A_110 = arith.constant 0 : i32
      %dma_start3A_111 = tpu.memref_slice %arg4[%add3A_10, %dma_start3A_110] : memref<2560x128xi32, #tpu.memory_space<hbm>> -> memref<40x128xi32, #tpu.memory_space<hbm>>
      %dma_start3A_112 = arith.constant 0 : i32
      %dma_start3A_113 = tpu.memref_slice %arg4[%add3A_10, %dma_start3A_112] : memref<2560x128xi32, #tpu.memory_space<hbm>> -> memref<40x128xi32, #tpu.memory_space<hbm>>
      tpu.enqueue_dma source(%dma_start3A_113 : memref<40x128xi32, #tpu.memory_space<hbm>>) target(%arg8 : memref<40x128xi32, #tpu.memory_space<vmem>>) target_semaphore(%run_scoped3A : memref<!tpu.dma_semaphore, #tpu.memory_space<semaphore_mem>>)
      %dma_wait3A = arith.constant 0 : i32
      %dma_wait3A_114 = tpu.memref_slice %arg4[%add3A_10, %dma_wait3A] : memref<2560x128xi32, #tpu.memory_space<hbm>> -> memref<40x128xi32, #tpu.memory_space<hbm>>
      %dma_wait3A_115 = arith.constant 0 : i32
      %dma_wait3A_116 = tpu.memref_slice %arg4[%add3A_10, %dma_wait3A_115] : memref<2560x128xi32, #tpu.memory_space<hbm>> -> memref<40x128xi32, #tpu.memory_space<hbm>>
      tpu.wait_dma2 semaphore(%run_scoped3A : memref<!tpu.dma_semaphore, #tpu.memory_space<semaphore_mem>>) src(%dma_wait3A_116 : memref<40x128xi32, #tpu.memory_space<hbm>>) dst(%arg8 : memref<40x128xi32, #tpu.memory_space<vmem>>)
      tpu.yield
    }) : () -> ()
    %dma_start3A = arith.constant 0 : i32
    %dma_start3A_11 = arith.constant 0 : i32
    %dma_start3A_12 = arith.constant 0 : i32
    %dma_start3A_13 = tpu.memref_slice %arg9[%dma_start3A_11, %dma_start3A_12] : memref<128x128xf32, #tpu.memory_space<vmem>> -> memref<64x128xf32, #tpu.memory_space<vmem>>
    %dma_start3A_14 = arith.constant 0 : i32
    %dma_start3A_15 = tpu.memref_slice %arg8[%dma_start3A, %dma_start3A_14] : memref<40x128xi32, #tpu.memory_space<vmem>> -> memref<1x64xi32, #tpu.memory_space<vmem>>
    %dma_start3A_16 = tpu.memref_squeeze %dma_start3A_15 : memref<1x64xi32, #tpu.memory_space<vmem>> -> memref<64xi32, #tpu.memory_space<vmem>>
    %dma_start3A_17 = arith.constant 0 : i32
    %dma_start3A_18 = arith.constant 0 : i32
    %dma_start3A_19 = tpu.memref_slice %arg2[%dma_start3A_17, %dma_start3A_18] : memref<80000x128xf32, #tpu.memory_space<hbm>> -> memref<80000x128xf32, #tpu.memory_space<hbm>>
    tpu.enqueue_indirect_dma source(%dma_start3A_19 : memref<80000x128xf32, #tpu.memory_space<hbm>>) target(%dma_start3A_13 : memref<64x128xf32, #tpu.memory_space<vmem>>) offsets(%dma_start3A_16 : memref<64xi32, #tpu.memory_space<vmem>>) semaphore(%arg12 : memref<!tpu.dma_semaphore, #tpu.memory_space<semaphore_mem>>)
    %dma_start3A_20 = arith.constant 0 : i32
    %dma_start3A_21 = arith.constant 64 : i32
    %dma_start3A_22 = arith.constant 0 : i32
    %dma_start3A_23 = tpu.memref_slice %arg9[%dma_start3A_21, %dma_start3A_22] : memref<128x128xf32, #tpu.memory_space<vmem>> -> memref<64x128xf32, #tpu.memory_space<vmem>>
    %dma_start3A_24 = arith.constant 64 : i32
    %dma_start3A_25 = tpu.memref_slice %arg8[%dma_start3A_20, %dma_start3A_24] : memref<40x128xi32, #tpu.memory_space<vmem>> -> memref<1x64xi32, #tpu.memory_space<vmem>>
    %dma_start3A_26 = tpu.memref_squeeze %dma_start3A_25 : memref<1x64xi32, #tpu.memory_space<vmem>> -> memref<64xi32, #tpu.memory_space<vmem>>
    %dma_start3A_27 = arith.constant 0 : i32
    %dma_start3A_28 = arith.constant 0 : i32
    %dma_start3A_29 = tpu.memref_slice %arg2[%dma_start3A_27, %dma_start3A_28] : memref<80000x128xf32, #tpu.memory_space<hbm>> -> memref<80000x128xf32, #tpu.memory_space<hbm>>
    tpu.enqueue_indirect_dma source(%dma_start3A_29 : memref<80000x128xf32, #tpu.memory_space<hbm>>) target(%dma_start3A_23 : memref<64x128xf32, #tpu.memory_space<vmem>>) offsets(%dma_start3A_26 : memref<64xi32, #tpu.memory_space<vmem>>) semaphore(%arg14 : memref<!tpu.dma_semaphore, #tpu.memory_space<semaphore_mem>>)
    %dma_start3A_30 = arith.constant 1 : i32
    %dma_start3A_31 = arith.constant 0 : i32
    %dma_start3A_32 = arith.constant 0 : i32
    %dma_start3A_33 = tpu.memref_slice %arg10[%dma_start3A_31, %dma_start3A_32] : memref<128x128xf32, #tpu.memory_space<vmem>> -> memref<64x128xf32, #tpu.memory_space<vmem>>
    %dma_start3A_34 = arith.constant 0 : i32
    %dma_start3A_35 = tpu.memref_slice %arg8[%dma_start3A_30, %dma_start3A_34] : memref<40x128xi32, #tpu.memory_space<vmem>> -> memref<1x64xi32, #tpu.memory_space<vmem>>
    %dma_start3A_36 = tpu.memref_squeeze %dma_start3A_35 : memref<1x64xi32, #tpu.memory_space<vmem>> -> memref<64xi32, #tpu.memory_space<vmem>>
    %dma_start3A_37 = arith.constant 0 : i32
    %dma_start3A_38 = arith.constant 0 : i32
    %dma_start3A_39 = tpu.memref_slice %arg2[%dma_start3A_37, %dma_start3A_38] : memref<80000x128xf32, #tpu.memory_space<hbm>> -> memref<80000x128xf32, #tpu.memory_space<hbm>>
    tpu.enqueue_indirect_dma source(%dma_start3A_39 : memref<80000x128xf32, #tpu.memory_space<hbm>>) target(%dma_start3A_33 : memref<64x128xf32, #tpu.memory_space<vmem>>) offsets(%dma_start3A_36 : memref<64xi32, #tpu.memory_space<vmem>>) semaphore(%arg13 : memref<!tpu.dma_semaphore, #tpu.memory_space<semaphore_mem>>)
    %dma_start3A_40 = arith.constant 1 : i32
    %dma_start3A_41 = arith.constant 64 : i32
    %dma_start3A_42 = arith.constant 0 : i32
    %dma_start3A_43 = tpu.memref_slice %arg10[%dma_start3A_41, %dma_start3A_42] : memref<128x128xf32, #tpu.memory_space<vmem>> -> memref<64x128xf32, #tpu.memory_space<vmem>>
    %dma_start3A_44 = arith.constant 64 : i32
    %dma_start3A_45 = tpu.memref_slice %arg8[%dma_start3A_40, %dma_start3A_44] : memref<40x128xi32, #tpu.memory_space<vmem>> -> memref<1x64xi32, #tpu.memory_space<vmem>>
    %dma_start3A_46 = tpu.memref_squeeze %dma_start3A_45 : memref<1x64xi32, #tpu.memory_space<vmem>> -> memref<64xi32, #tpu.memory_space<vmem>>
    %dma_start3A_47 = arith.constant 0 : i32
    %dma_start3A_48 = arith.constant 0 : i32
    %dma_start3A_49 = tpu.memref_slice %arg2[%dma_start3A_47, %dma_start3A_48] : memref<80000x128xf32, #tpu.memory_space<hbm>> -> memref<80000x128xf32, #tpu.memory_space<hbm>>
    tpu.enqueue_indirect_dma source(%dma_start3A_49 : memref<80000x128xf32, #tpu.memory_space<hbm>>) target(%dma_start3A_43 : memref<64x128xf32, #tpu.memory_space<vmem>>) offsets(%dma_start3A_46 : memref<64xi32, #tpu.memory_space<vmem>>) semaphore(%arg15 : memref<!tpu.dma_semaphore, #tpu.memory_space<semaphore_mem>>)
    %scan3A = arith.constant 0 : i32
    %scan3A_50 = arith.constant 0 : i32
    %scan3A_51 = arith.constant 20 : i32
    %scan3A_52 = arith.addi %scan3A_50, %scan3A_51 : i32
    %scan3A_53 = arith.constant 1 : i32
    scf.for %scan3A_110 = %scan3A_50 to %scan3A_52 step %scan3A_53  : i32 {
      %mul3A_111 = arith.constant 2 : i32
      %mul3A_112 = arith.muli %scan3A_110, %mul3A_111 : i32
      %add3A_113 = arith.constant 0 : i32
      %add3A_114 = arith.addi %mul3A_112, %add3A_113 : i32
      %dma_wait3A = arith.constant 0 : i32
      %dma_wait3A_115 = arith.constant 0 : i32
      %dma_wait3A_116 = tpu.memref_slice %arg9[%dma_wait3A, %dma_wait3A_115] : memref<128x128xf32, #tpu.memory_space<vmem>> -> memref<64x128xf32, #tpu.memory_space<vmem>>
      %dma_wait3A_117 = arith.constant 0 : i32
      %dma_wait3A_118 = tpu.memref_slice %arg8[%add3A_114, %dma_wait3A_117] : memref<40x128xi32, #tpu.memory_space<vmem>> -> memref<1x64xi32, #tpu.memory_space<vmem>>
      %dma_wait3A_119 = tpu.memref_squeeze %dma_wait3A_118 : memref<1x64xi32, #tpu.memory_space<vmem>> -> memref<64xi32, #tpu.memory_space<vmem>>
      %dma_wait3A_120 = arith.constant 0 : i32
      %dma_wait3A_121 = arith.constant 0 : i32
      %dma_wait3A_122 = tpu.memref_slice %arg2[%dma_wait3A_120, %dma_wait3A_121] : memref<80000x128xf32, #tpu.memory_space<hbm>> -> memref<80000x128xf32, #tpu.memory_space<hbm>>
      tpu.wait_indirect_dma semaphore(%arg12 : memref<!tpu.dma_semaphore, #tpu.memory_space<semaphore_mem>>) src(%dma_wait3A_122 : memref<80000x128xf32, #tpu.memory_space<hbm>>) dst(%dma_wait3A_116 : memref<64x128xf32, #tpu.memory_space<vmem>>)
      %dma_wait3A_123 = arith.constant 64 : i32
      %dma_wait3A_124 = arith.constant 0 : i32
      %dma_wait3A_125 = tpu.memref_slice %arg9[%dma_wait3A_123, %dma_wait3A_124] : memref<128x128xf32, #tpu.memory_space<vmem>> -> memref<64x128xf32, #tpu.memory_space<vmem>>
      %dma_wait3A_126 = arith.constant 64 : i32
      %dma_wait3A_127 = tpu.memref_slice %arg8[%add3A_114, %dma_wait3A_126] : memref<40x128xi32, #tpu.memory_space<vmem>> -> memref<1x64xi32, #tpu.memory_space<vmem>>
      %dma_wait3A_128 = tpu.memref_squeeze %dma_wait3A_127 : memref<1x64xi32, #tpu.memory_space<vmem>> -> memref<64xi32, #tpu.memory_space<vmem>>
      %dma_wait3A_129 = arith.constant 0 : i32
      %dma_wait3A_130 = arith.constant 0 : i32
      %dma_wait3A_131 = tpu.memref_slice %arg2[%dma_wait3A_129, %dma_wait3A_130] : memref<80000x128xf32, #tpu.memory_space<hbm>> -> memref<80000x128xf32, #tpu.memory_space<hbm>>
      tpu.wait_indirect_dma semaphore(%arg14 : memref<!tpu.dma_semaphore, #tpu.memory_space<semaphore_mem>>) src(%dma_wait3A_131 : memref<80000x128xf32, #tpu.memory_space<hbm>>) dst(%dma_wait3A_125 : memref<64x128xf32, #tpu.memory_space<vmem>>)
      "tpu.region"() ({
        %run_scoped3A = tpu.sem_alloc : memref<!tpu.dma_semaphore, #tpu.memory_space<semaphore_mem>>
        %dma_start3A_165 = arith.constant 0 : i32
        %dma_start3A_166 = tpu.memref_slice %arg7[%add3A_114, %dma_start3A_165] : memref<40x128xi32, #tpu.memory_space<vmem>> -> memref<1x128xi32, #tpu.memory_space<vmem>>
        %dma_start3A_167 = tpu.memref_squeeze %dma_start3A_166 : memref<1x128xi32, #tpu.memory_space<vmem>> -> memref<128xi32, #tpu.memory_space<vmem>>
        %dma_start3A_168 = arith.constant 0 : i32
        %dma_start3A_169 = arith.constant 0 : i32
        %dma_start3A_170 = tpu.memref_slice %arg11[%dma_start3A_168, %dma_start3A_169] : memref<10240x128xf32, #tpu.memory_space<vmem_shared>> -> memref<10240x128xf32, #tpu.memory_space<vmem_shared>>
        tpu.enqueue_indirect_dma source(%arg9 : memref<128x128xf32, #tpu.memory_space<vmem>>) target(%dma_start3A_170 : memref<10240x128xf32, #tpu.memory_space<vmem_shared>>) offsets(%dma_start3A_167 : memref<128xi32, #tpu.memory_space<vmem>>) semaphore(%run_scoped3A : memref<!tpu.dma_semaphore, #tpu.memory_space<semaphore_mem>>) {add = true}
        %dma_wait3A_171 = arith.constant 0 : i32
        %dma_wait3A_172 = tpu.memref_slice %arg7[%add3A_114, %dma_wait3A_171] : memref<40x128xi32, #tpu.memory_space<vmem>> -> memref<1x128xi32, #tpu.memory_space<vmem>>
        %dma_wait3A_173 = tpu.memref_squeeze %dma_wait3A_172 : memref<1x128xi32, #tpu.memory_space<vmem>> -> memref<128xi32, #tpu.memory_space<vmem>>
        %dma_wait3A_174 = arith.constant 0 : i32
        %dma_wait3A_175 = arith.constant 0 : i32
        %dma_wait3A_176 = tpu.memref_slice %arg11[%dma_wait3A_174, %dma_wait3A_175] : memref<10240x128xf32, #tpu.memory_space<vmem_shared>> -> memref<10240x128xf32, #tpu.memory_space<vmem_shared>>
        tpu.wait_indirect_dma semaphore(%run_scoped3A : memref<!tpu.dma_semaphore, #tpu.memory_space<semaphore_mem>>) src(%arg9 : memref<128x128xf32, #tpu.memory_space<vmem>>) dst(%dma_wait3A_176 : memref<10240x128xf32, #tpu.memory_space<vmem_shared>>)
        tpu.yield
      }) : () -> ()
      %add3A_132 = arith.constant 2 : i32
      %add3A_133 = arith.addi %add3A_114, %add3A_132 : i32
      %lt3A = arith.constant 40 : i32
      %lt3A_134 = arith.cmpi slt, %add3A_133, %lt3A : i32
      %convert_element_type3A = arith.extui %lt3A_134 : i1 to i32
      %cond3A = arith.constant 0 : i32
      %cond3A_135 = arith.cmpi ne, %convert_element_type3A, %cond3A : i32
      scf.if %cond3A_135 {
        %add3A_165 = arith.constant 2 : i32
        %add3A_166 = arith.addi %add3A_114, %add3A_165 : i32
        %dma_start3A_167 = arith.constant 0 : i32
        %dma_start3A_168 = arith.constant 0 : i32
        %dma_start3A_169 = tpu.memref_slice %arg9[%dma_start3A_167, %dma_start3A_168] : memref<128x128xf32, #tpu.memory_space<vmem>> -> memref<64x128xf32, #tpu.memory_space<vmem>>
        %dma_start3A_170 = arith.constant 0 : i32
        %dma_start3A_171 = tpu.memref_slice %arg8[%add3A_166, %dma_start3A_170] : memref<40x128xi32, #tpu.memory_space<vmem>> -> memref<1x64xi32, #tpu.memory_space<vmem>>
        %dma_start3A_172 = tpu.memref_squeeze %dma_start3A_171 : memref<1x64xi32, #tpu.memory_space<vmem>> -> memref<64xi32, #tpu.memory_space<vmem>>
        %dma_start3A_173 = arith.constant 0 : i32
        %dma_start3A_174 = arith.constant 0 : i32
        %dma_start3A_175 = tpu.memref_slice %arg2[%dma_start3A_173, %dma_start3A_174] : memref<80000x128xf32, #tpu.memory_space<hbm>> -> memref<80000x128xf32, #tpu.memory_space<hbm>>
        tpu.enqueue_indirect_dma source(%dma_start3A_175 : memref<80000x128xf32, #tpu.memory_space<hbm>>) target(%dma_start3A_169 : memref<64x128xf32, #tpu.memory_space<vmem>>) offsets(%dma_start3A_172 : memref<64xi32, #tpu.memory_space<vmem>>) semaphore(%arg12 : memref<!tpu.dma_semaphore, #tpu.memory_space<semaphore_mem>>)
        %dma_start3A_176 = arith.constant 64 : i32
        %dma_start3A_177 = arith.constant 0 : i32
        %dma_start3A_178 = tpu.memref_slice %arg9[%dma_start3A_176, %dma_start3A_177] : memref<128x128xf32, #tpu.memory_space<vmem>> -> memref<64x128xf32, #tpu.memory_space<vmem>>
        %dma_start3A_179 = arith.constant 64 : i32
        %dma_start3A_180 = tpu.memref_slice %arg8[%add3A_166, %dma_start3A_179] : memref<40x128xi32, #tpu.memory_space<vmem>> -> memref<1x64xi32, #tpu.memory_space<vmem>>
        %dma_start3A_181 = tpu.memref_squeeze %dma_start3A_180 : memref<1x64xi32, #tpu.memory_space<vmem>> -> memref<64xi32, #tpu.memory_space<vmem>>
        %dma_start3A_182 = arith.constant 0 : i32
        %dma_start3A_183 = arith.constant 0 : i32
        %dma_start3A_184 = tpu.memref_slice %arg2[%dma_start3A_182, %dma_start3A_183] : memref<80000x128xf32, #tpu.memory_space<hbm>> -> memref<80000x128xf32, #tpu.memory_space<hbm>>
        tpu.enqueue_indirect_dma source(%dma_start3A_184 : memref<80000x128xf32, #tpu.memory_space<hbm>>) target(%dma_start3A_178 : memref<64x128xf32, #tpu.memory_space<vmem>>) offsets(%dma_start3A_181 : memref<64xi32, #tpu.memory_space<vmem>>) semaphore(%arg14 : memref<!tpu.dma_semaphore, #tpu.memory_space<semaphore_mem>>)
      } else {
      }
      %mul3A_136 = arith.constant 2 : i32
      %mul3A_137 = arith.muli %scan3A_110, %mul3A_136 : i32
      %add3A_138 = arith.constant 1 : i32
      %add3A_139 = arith.addi %mul3A_137, %add3A_138 : i32
      %dma_wait3A_140 = arith.constant 0 : i32
      %dma_wait3A_141 = arith.constant 0 : i32
      %dma_wait3A_142 = tpu.memref_slice %arg10[%dma_wait3A_140, %dma_wait3A_141] : memref<128x128xf32, #tpu.memory_space<vmem>> -> memref<64x128xf32, #tpu.memory_space<vmem>>
      %dma_wait3A_143 = arith.constant 0 : i32
      %dma_wait3A_144 = tpu.memref_slice %arg8[%add3A_139, %dma_wait3A_143] : memref<40x128xi32, #tpu.memory_space<vmem>> -> memref<1x64xi32, #tpu.memory_space<vmem>>
      %dma_wait3A_145 = tpu.memref_squeeze %dma_wait3A_144 : memref<1x64xi32, #tpu.memory_space<vmem>> -> memref<64xi32, #tpu.memory_space<vmem>>
      %dma_wait3A_146 = arith.constant 0 : i32
      %dma_wait3A_147 = arith.constant 0 : i32
      %dma_wait3A_148 = tpu.memref_slice %arg2[%dma_wait3A_146, %dma_wait3A_147] : memref<80000x128xf32, #tpu.memory_space<hbm>> -> memref<80000x128xf32, #tpu.memory_space<hbm>>
      tpu.wait_indirect_dma semaphore(%arg13 : memref<!tpu.dma_semaphore, #tpu.memory_space<semaphore_mem>>) src(%dma_wait3A_148 : memref<80000x128xf32, #tpu.memory_space<hbm>>) dst(%dma_wait3A_142 : memref<64x128xf32, #tpu.memory_space<vmem>>)
      %dma_wait3A_149 = arith.constant 64 : i32
      %dma_wait3A_150 = arith.constant 0 : i32
      %dma_wait3A_151 = tpu.memref_slice %arg10[%dma_wait3A_149, %dma_wait3A_150] : memref<128x128xf32, #tpu.memory_space<vmem>> -> memref<64x128xf32, #tpu.memory_space<vmem>>
      %dma_wait3A_152 = arith.constant 64 : i32
      %dma_wait3A_153 = tpu.memref_slice %arg8[%add3A_139, %dma_wait3A_152] : memref<40x128xi32, #tpu.memory_space<vmem>> -> memref<1x64xi32, #tpu.memory_space<vmem>>
      %dma_wait3A_154 = tpu.memref_squeeze %dma_wait3A_153 : memref<1x64xi32, #tpu.memory_space<vmem>> -> memref<64xi32, #tpu.memory_space<vmem>>
      %dma_wait3A_155 = arith.constant 0 : i32
      %dma_wait3A_156 = arith.constant 0 : i32
      %dma_wait3A_157 = tpu.memref_slice %arg2[%dma_wait3A_155, %dma_wait3A_156] : memref<80000x128xf32, #tpu.memory_space<hbm>> -> memref<80000x128xf32, #tpu.memory_space<hbm>>
      tpu.wait_indirect_dma semaphore(%arg15 : memref<!tpu.dma_semaphore, #tpu.memory_space<semaphore_mem>>) src(%dma_wait3A_157 : memref<80000x128xf32, #tpu.memory_space<hbm>>) dst(%dma_wait3A_151 : memref<64x128xf32, #tpu.memory_space<vmem>>)
      "tpu.region"() ({
        %run_scoped3A = tpu.sem_alloc : memref<!tpu.dma_semaphore, #tpu.memory_space<semaphore_mem>>
        %dma_start3A_165 = arith.constant 0 : i32
        %dma_start3A_166 = tpu.memref_slice %arg7[%add3A_139, %dma_start3A_165] : memref<40x128xi32, #tpu.memory_space<vmem>> -> memref<1x128xi32, #tpu.memory_space<vmem>>
        %dma_start3A_167 = tpu.memref_squeeze %dma_start3A_166 : memref<1x128xi32, #tpu.memory_space<vmem>> -> memref<128xi32, #tpu.memory_space<vmem>>
        %dma_start3A_168 = arith.constant 0 : i32
        %dma_start3A_169 = arith.constant 0 : i32
        %dma_start3A_170 = tpu.memref_slice %arg11[%dma_start3A_168, %dma_start3A_169] : memref<10240x128xf32, #tpu.memory_space<vmem_shared>> -> memref<10240x128xf32, #tpu.memory_space<vmem_shared>>
        tpu.enqueue_indirect_dma source(%arg10 : memref<128x128xf32, #tpu.memory_space<vmem>>) target(%dma_start3A_170 : memref<10240x128xf32, #tpu.memory_space<vmem_shared>>) offsets(%dma_start3A_167 : memref<128xi32, #tpu.memory_space<vmem>>) semaphore(%run_scoped3A : memref<!tpu.dma_semaphore, #tpu.memory_space<semaphore_mem>>) {add = true}
        %dma_wait3A_171 = arith.constant 0 : i32
        %dma_wait3A_172 = tpu.memref_slice %arg7[%add3A_139, %dma_wait3A_171] : memref<40x128xi32, #tpu.memory_space<vmem>> -> memref<1x128xi32, #tpu.memory_space<vmem>>
        %dma_wait3A_173 = tpu.memref_squeeze %dma_wait3A_172 : memref<1x128xi32, #tpu.memory_space<vmem>> -> memref<128xi32, #tpu.memory_space<vmem>>
        %dma_wait3A_174 = arith.constant 0 : i32
        %dma_wait3A_175 = arith.constant 0 : i32
        %dma_wait3A_176 = tpu.memref_slice %arg11[%dma_wait3A_174, %dma_wait3A_175] : memref<10240x128xf32, #tpu.memory_space<vmem_shared>> -> memref<10240x128xf32, #tpu.memory_space<vmem_shared>>
        tpu.wait_indirect_dma semaphore(%run_scoped3A : memref<!tpu.dma_semaphore, #tpu.memory_space<semaphore_mem>>) src(%arg10 : memref<128x128xf32, #tpu.memory_space<vmem>>) dst(%dma_wait3A_176 : memref<10240x128xf32, #tpu.memory_space<vmem_shared>>)
        tpu.yield
      }) : () -> ()
      %add3A_158 = arith.constant 2 : i32
      %add3A_159 = arith.addi %add3A_139, %add3A_158 : i32
      %lt3A_160 = arith.constant 40 : i32
      %lt3A_161 = arith.cmpi slt, %add3A_159, %lt3A_160 : i32
      %convert_element_type3A_162 = arith.extui %lt3A_161 : i1 to i32
      %cond3A_163 = arith.constant 0 : i32
      %cond3A_164 = arith.cmpi ne, %convert_element_type3A_162, %cond3A_163 : i32
      scf.if %cond3A_164 {
        %add3A_165 = arith.constant 2 : i32
        %add3A_166 = arith.addi %add3A_139, %add3A_165 : i32
        %dma_start3A_167 = arith.constant 0 : i32
        %dma_start3A_168 = arith.constant 0 : i32
        %dma_start3A_169 = tpu.memref_slice %arg10[%dma_start3A_167, %dma_start3A_168] : memref<128x128xf32, #tpu.memory_space<vmem>> -> memref<64x128xf32, #tpu.memory_space<vmem>>
        %dma_start3A_170 = arith.constant 0 : i32
        %dma_start3A_171 = tpu.memref_slice %arg8[%add3A_166, %dma_start3A_170] : memref<40x128xi32, #tpu.memory_space<vmem>> -> memref<1x64xi32, #tpu.memory_space<vmem>>
        %dma_start3A_172 = tpu.memref_squeeze %dma_start3A_171 : memref<1x64xi32, #tpu.memory_space<vmem>> -> memref<64xi32, #tpu.memory_space<vmem>>
        %dma_start3A_173 = arith.constant 0 : i32
        %dma_start3A_174 = arith.constant 0 : i32
        %dma_start3A_175 = tpu.memref_slice %arg2[%dma_start3A_173, %dma_start3A_174] : memref<80000x128xf32, #tpu.memory_space<hbm>> -> memref<80000x128xf32, #tpu.memory_space<hbm>>
        tpu.enqueue_indirect_dma source(%dma_start3A_175 : memref<80000x128xf32, #tpu.memory_space<hbm>>) target(%dma_start3A_169 : memref<64x128xf32, #tpu.memory_space<vmem>>) offsets(%dma_start3A_172 : memref<64xi32, #tpu.memory_space<vmem>>) semaphore(%arg13 : memref<!tpu.dma_semaphore, #tpu.memory_space<semaphore_mem>>)
        %dma_start3A_176 = arith.constant 64 : i32
        %dma_start3A_177 = arith.constant 0 : i32
        %dma_start3A_178 = tpu.memref_slice %arg10[%dma_start3A_176, %dma_start3A_177] : memref<128x128xf32, #tpu.memory_space<vmem>> -> memref<64x128xf32, #tpu.memory_space<vmem>>
        %dma_start3A_179 = arith.constant 64 : i32
        %dma_start3A_180 = tpu.memref_slice %arg8[%add3A_166, %dma_start3A_179] : memref<40x128xi32, #tpu.memory_space<vmem>> -> memref<1x64xi32, #tpu.memory_space<vmem>>
        %dma_start3A_181 = tpu.memref_squeeze %dma_start3A_180 : memref<1x64xi32, #tpu.memory_space<vmem>> -> memref<64xi32, #tpu.memory_space<vmem>>
        %dma_start3A_182 = arith.constant 0 : i32
        %dma_start3A_183 = arith.constant 0 : i32
        %dma_start3A_184 = tpu.memref_slice %arg2[%dma_start3A_182, %dma_start3A_183] : memref<80000x128xf32, #tpu.memory_space<hbm>> -> memref<80000x128xf32, #tpu.memory_space<hbm>>
        tpu.enqueue_indirect_dma source(%dma_start3A_184 : memref<80000x128xf32, #tpu.memory_space<hbm>>) target(%dma_start3A_178 : memref<64x128xf32, #tpu.memory_space<vmem>>) offsets(%dma_start3A_181 : memref<64xi32, #tpu.memory_space<vmem>>) semaphore(%arg15 : memref<!tpu.dma_semaphore, #tpu.memory_space<semaphore_mem>>)
      } else {
      }
    }
    %scan3A_54 = arith.constant 20 : i32
    %add3A_55 = arith.constant 40 : i32
    %add3A_56 = arith.addi %mul3A_2, %add3A_55 : i32
    "tpu.region"() ({
      %run_scoped3A = tpu.sem_alloc : memref<!tpu.dma_semaphore, #tpu.memory_space<semaphore_mem>>
      %dma_start3A_110 = arith.constant 0 : i32
      %dma_start3A_111 = tpu.memref_slice %arg3[%add3A_56, %dma_start3A_110] : memref<2560x128xi32, #tpu.memory_space<hbm>> -> memref<40x128xi32, #tpu.memory_space<hbm>>
      %dma_start3A_112 = arith.constant 0 : i32
      %dma_start3A_113 = tpu.memref_slice %arg3[%add3A_56, %dma_start3A_112] : memref<2560x128xi32, #tpu.memory_space<hbm>> -> memref<40x128xi32, #tpu.memory_space<hbm>>
      tpu.enqueue_dma source(%dma_start3A_113 : memref<40x128xi32, #tpu.memory_space<hbm>>) target(%arg7 : memref<40x128xi32, #tpu.memory_space<vmem>>) target_semaphore(%run_scoped3A : memref<!tpu.dma_semaphore, #tpu.memory_space<semaphore_mem>>)
      %dma_wait3A = arith.constant 0 : i32
      %dma_wait3A_114 = tpu.memref_slice %arg3[%add3A_56, %dma_wait3A] : memref<2560x128xi32, #tpu.memory_space<hbm>> -> memref<40x128xi32, #tpu.memory_space<hbm>>
      %dma_wait3A_115 = arith.constant 0 : i32
      %dma_wait3A_116 = tpu.memref_slice %arg3[%add3A_56, %dma_wait3A_115] : memref<2560x128xi32, #tpu.memory_space<hbm>> -> memref<40x128xi32, #tpu.memory_space<hbm>>
      tpu.wait_dma2 semaphore(%run_scoped3A : memref<!tpu.dma_semaphore, #tpu.memory_space<semaphore_mem>>) src(%dma_wait3A_116 : memref<40x128xi32, #tpu.memory_space<hbm>>) dst(%arg7 : memref<40x128xi32, #tpu.memory_space<vmem>>)
      tpu.yield
    }) : () -> ()
    %add3A_57 = arith.constant 40 : i32
    %add3A_58 = arith.addi %mul3A_2, %add3A_57 : i32
    "tpu.region"() ({
      %run_scoped3A = tpu.sem_alloc : memref<!tpu.dma_semaphore, #tpu.memory_space<semaphore_mem>>
      %dma_start3A_110 = arith.constant 0 : i32
      %dma_start3A_111 = tpu.memref_slice %arg4[%add3A_58, %dma_start3A_110] : memref<2560x128xi32, #tpu.memory_space<hbm>> -> memref<40x128xi32, #tpu.memory_space<hbm>>
      %dma_start3A_112 = arith.constant 0 : i32
      %dma_start3A_113 = tpu.memref_slice %arg4[%add3A_58, %dma_start3A_112] : memref<2560x128xi32, #tpu.memory_space<hbm>> -> memref<40x128xi32, #tpu.memory_space<hbm>>
      tpu.enqueue_dma source(%dma_start3A_113 : memref<40x128xi32, #tpu.memory_space<hbm>>) target(%arg8 : memref<40x128xi32, #tpu.memory_space<vmem>>) target_semaphore(%run_scoped3A : memref<!tpu.dma_semaphore, #tpu.memory_space<semaphore_mem>>)
      %dma_wait3A = arith.constant 0 : i32
      %dma_wait3A_114 = tpu.memref_slice %arg4[%add3A_58, %dma_wait3A] : memref<2560x128xi32, #tpu.memory_space<hbm>> -> memref<40x128xi32, #tpu.memory_space<hbm>>
      %dma_wait3A_115 = arith.constant 0 : i32
      %dma_wait3A_116 = tpu.memref_slice %arg4[%add3A_58, %dma_wait3A_115] : memref<2560x128xi32, #tpu.memory_space<hbm>> -> memref<40x128xi32, #tpu.memory_space<hbm>>
      tpu.wait_dma2 semaphore(%run_scoped3A : memref<!tpu.dma_semaphore, #tpu.memory_space<semaphore_mem>>) src(%dma_wait3A_116 : memref<40x128xi32, #tpu.memory_space<hbm>>) dst(%arg8 : memref<40x128xi32, #tpu.memory_space<vmem>>)
      tpu.yield
    }) : () -> ()
    %dma_start3A_59 = arith.constant 0 : i32
    %dma_start3A_60 = arith.constant 0 : i32
    %dma_start3A_61 = arith.constant 0 : i32
    %dma_start3A_62 = tpu.memref_slice %arg9[%dma_start3A_60, %dma_start3A_61] : memref<128x128xf32, #tpu.memory_space<vmem>> -> memref<64x128xf32, #tpu.memory_space<vmem>>
    %dma_start3A_63 = arith.constant 0 : i32
    %dma_start3A_64 = tpu.memref_slice %arg8[%dma_start3A_59, %dma_start3A_63] : memref<40x128xi32, #tpu.memory_space<vmem>> -> memref<1x64xi32, #tpu.memory_space<vmem>>
    %dma_start3A_65 = tpu.memref_squeeze %dma_start3A_64 : memref<1x64xi32, #tpu.memory_space<vmem>> -> memref<64xi32, #tpu.memory_space<vmem>>
    %dma_start3A_66 = arith.constant 0 : i32
    %dma_start3A_67 = arith.constant 0 : i32
    %dma_start3A_68 = tpu.memref_slice %arg2[%dma_start3A_66, %dma_start3A_67] : memref<80000x128xf32, #tpu.memory_space<hbm>> -> memref<80000x128xf32, #tpu.memory_space<hbm>>
    tpu.enqueue_indirect_dma source(%dma_start3A_68 : memref<80000x128xf32, #tpu.memory_space<hbm>>) target(%dma_start3A_62 : memref<64x128xf32, #tpu.memory_space<vmem>>) offsets(%dma_start3A_65 : memref<64xi32, #tpu.memory_space<vmem>>) semaphore(%arg12 : memref<!tpu.dma_semaphore, #tpu.memory_space<semaphore_mem>>)
    %dma_start3A_69 = arith.constant 0 : i32
    %dma_start3A_70 = arith.constant 64 : i32
    %dma_start3A_71 = arith.constant 0 : i32
    %dma_start3A_72 = tpu.memref_slice %arg9[%dma_start3A_70, %dma_start3A_71] : memref<128x128xf32, #tpu.memory_space<vmem>> -> memref<64x128xf32, #tpu.memory_space<vmem>>
    %dma_start3A_73 = arith.constant 64 : i32
    %dma_start3A_74 = tpu.memref_slice %arg8[%dma_start3A_69, %dma_start3A_73] : memref<40x128xi32, #tpu.memory_space<vmem>> -> memref<1x64xi32, #tpu.memory_space<vmem>>
    %dma_start3A_75 = tpu.memref_squeeze %dma_start3A_74 : memref<1x64xi32, #tpu.memory_space<vmem>> -> memref<64xi32, #tpu.memory_space<vmem>>
    %dma_start3A_76 = arith.constant 0 : i32
    %dma_start3A_77 = arith.constant 0 : i32
    %dma_start3A_78 = tpu.memref_slice %arg2[%dma_start3A_76, %dma_start3A_77] : memref<80000x128xf32, #tpu.memory_space<hbm>> -> memref<80000x128xf32, #tpu.memory_space<hbm>>
    tpu.enqueue_indirect_dma source(%dma_start3A_78 : memref<80000x128xf32, #tpu.memory_space<hbm>>) target(%dma_start3A_72 : memref<64x128xf32, #tpu.memory_space<vmem>>) offsets(%dma_start3A_75 : memref<64xi32, #tpu.memory_space<vmem>>) semaphore(%arg14 : memref<!tpu.dma_semaphore, #tpu.memory_space<semaphore_mem>>)
    %dma_start3A_79 = arith.constant 1 : i32
    %dma_start3A_80 = arith.constant 0 : i32
    %dma_start3A_81 = arith.constant 0 : i32
    %dma_start3A_82 = tpu.memref_slice %arg10[%dma_start3A_80, %dma_start3A_81] : memref<128x128xf32, #tpu.memory_space<vmem>> -> memref<64x128xf32, #tpu.memory_space<vmem>>
    %dma_start3A_83 = arith.constant 0 : i32
    %dma_start3A_84 = tpu.memref_slice %arg8[%dma_start3A_79, %dma_start3A_83] : memref<40x128xi32, #tpu.memory_space<vmem>> -> memref<1x64xi32, #tpu.memory_space<vmem>>
    %dma_start3A_85 = tpu.memref_squeeze %dma_start3A_84 : memref<1x64xi32, #tpu.memory_space<vmem>> -> memref<64xi32, #tpu.memory_space<vmem>>
    %dma_start3A_86 = arith.constant 0 : i32
    %dma_start3A_87 = arith.constant 0 : i32
    %dma_start3A_88 = tpu.memref_slice %arg2[%dma_start3A_86, %dma_start3A_87] : memref<80000x128xf32, #tpu.memory_space<hbm>> -> memref<80000x128xf32, #tpu.memory_space<hbm>>
    tpu.enqueue_indirect_dma source(%dma_start3A_88 : memref<80000x128xf32, #tpu.memory_space<hbm>>) target(%dma_start3A_82 : memref<64x128xf32, #tpu.memory_space<vmem>>) offsets(%dma_start3A_85 : memref<64xi32, #tpu.memory_space<vmem>>) semaphore(%arg13 : memref<!tpu.dma_semaphore, #tpu.memory_space<semaphore_mem>>)
    %dma_start3A_89 = arith.constant 1 : i32
    %dma_start3A_90 = arith.constant 64 : i32
    %dma_start3A_91 = arith.constant 0 : i32
    %dma_start3A_92 = tpu.memref_slice %arg10[%dma_start3A_90, %dma_start3A_91] : memref<128x128xf32, #tpu.memory_space<vmem>> -> memref<64x128xf32, #tpu.memory_space<vmem>>
    %dma_start3A_93 = arith.constant 64 : i32
    %dma_start3A_94 = tpu.memref_slice %arg8[%dma_start3A_89, %dma_start3A_93] : memref<40x128xi32, #tpu.memory_space<vmem>> -> memref<1x64xi32, #tpu.memory_space<vmem>>
    %dma_start3A_95 = tpu.memref_squeeze %dma_start3A_94 : memref<1x64xi32, #tpu.memory_space<vmem>> -> memref<64xi32, #tpu.memory_space<vmem>>
    %dma_start3A_96 = arith.constant 0 : i32
    %dma_start3A_97 = arith.constant 0 : i32
    %dma_start3A_98 = tpu.memref_slice %arg2[%dma_start3A_96, %dma_start3A_97] : memref<80000x128xf32, #tpu.memory_space<hbm>> -> memref<80000x128xf32, #tpu.memory_space<hbm>>
    tpu.enqueue_indirect_dma source(%dma_start3A_98 : memref<80000x128xf32, #tpu.memory_space<hbm>>) target(%dma_start3A_92 : memref<64x128xf32, #tpu.memory_space<vmem>>) offsets(%dma_start3A_95 : memref<64xi32, #tpu.memory_space<vmem>>) semaphore(%arg15 : memref<!tpu.dma_semaphore, #tpu.memory_space<semaphore_mem>>)
    %scan3A_99 = arith.constant 0 : i32
    %scan3A_100 = arith.constant 0 : i32
    %scan3A_101 = arith.constant 20 : i32
    %scan3A_102 = arith.addi %scan3A_100, %scan3A_101 : i32
    %scan3A_103 = arith.constant 1 : i32
    scf.for %scan3A_110 = %scan3A_100 to %scan3A_102 step %scan3A_103  : i32 {
      %mul3A_111 = arith.constant 2 : i32
      %mul3A_112 = arith.muli %scan3A_110, %mul3A_111 : i32
      %add3A_113 = arith.constant 0 : i32
      %add3A_114 = arith.addi %mul3A_112, %add3A_113 : i32
      %dma_wait3A = arith.constant 0 : i32
      %dma_wait3A_115 = arith.constant 0 : i32
      %dma_wait3A_116 = tpu.memref_slice %arg9[%dma_wait3A, %dma_wait3A_115] : memref<128x128xf32, #tpu.memory_space<vmem>> -> memref<64x128xf32, #tpu.memory_space<vmem>>
      %dma_wait3A_117 = arith.constant 0 : i32
      %dma_wait3A_118 = tpu.memref_slice %arg8[%add3A_114, %dma_wait3A_117] : memref<40x128xi32, #tpu.memory_space<vmem>> -> memref<1x64xi32, #tpu.memory_space<vmem>>
      %dma_wait3A_119 = tpu.memref_squeeze %dma_wait3A_118 : memref<1x64xi32, #tpu.memory_space<vmem>> -> memref<64xi32, #tpu.memory_space<vmem>>
      %dma_wait3A_120 = arith.constant 0 : i32
      %dma_wait3A_121 = arith.constant 0 : i32
      %dma_wait3A_122 = tpu.memref_slice %arg2[%dma_wait3A_120, %dma_wait3A_121] : memref<80000x128xf32, #tpu.memory_space<hbm>> -> memref<80000x128xf32, #tpu.memory_space<hbm>>
      tpu.wait_indirect_dma semaphore(%arg12 : memref<!tpu.dma_semaphore, #tpu.memory_space<semaphore_mem>>) src(%dma_wait3A_122 : memref<80000x128xf32, #tpu.memory_space<hbm>>) dst(%dma_wait3A_116 : memref<64x128xf32, #tpu.memory_space<vmem>>)
      %dma_wait3A_123 = arith.constant 64 : i32
      %dma_wait3A_124 = arith.constant 0 : i32
      %dma_wait3A_125 = tpu.memref_slice %arg9[%dma_wait3A_123, %dma_wait3A_124] : memref<128x128xf32, #tpu.memory_space<vmem>> -> memref<64x128xf32, #tpu.memory_space<vmem>>
      %dma_wait3A_126 = arith.constant 64 : i32
      %dma_wait3A_127 = tpu.memref_slice %arg8[%add3A_114, %dma_wait3A_126] : memref<40x128xi32, #tpu.memory_space<vmem>> -> memref<1x64xi32, #tpu.memory_space<vmem>>
      %dma_wait3A_128 = tpu.memref_squeeze %dma_wait3A_127 : memref<1x64xi32, #tpu.memory_space<vmem>> -> memref<64xi32, #tpu.memory_space<vmem>>
      %dma_wait3A_129 = arith.constant 0 : i32
      %dma_wait3A_130 = arith.constant 0 : i32
      %dma_wait3A_131 = tpu.memref_slice %arg2[%dma_wait3A_129, %dma_wait3A_130] : memref<80000x128xf32, #tpu.memory_space<hbm>> -> memref<80000x128xf32, #tpu.memory_space<hbm>>
      tpu.wait_indirect_dma semaphore(%arg14 : memref<!tpu.dma_semaphore, #tpu.memory_space<semaphore_mem>>) src(%dma_wait3A_131 : memref<80000x128xf32, #tpu.memory_space<hbm>>) dst(%dma_wait3A_125 : memref<64x128xf32, #tpu.memory_space<vmem>>)
      "tpu.region"() ({
        %run_scoped3A = tpu.sem_alloc : memref<!tpu.dma_semaphore, #tpu.memory_space<semaphore_mem>>
        %dma_start3A_165 = arith.constant 0 : i32
        %dma_start3A_166 = tpu.memref_slice %arg7[%add3A_114, %dma_start3A_165] : memref<40x128xi32, #tpu.memory_space<vmem>> -> memref<1x128xi32, #tpu.memory_space<vmem>>
        %dma_start3A_167 = tpu.memref_squeeze %dma_start3A_166 : memref<1x128xi32, #tpu.memory_space<vmem>> -> memref<128xi32, #tpu.memory_space<vmem>>
        %dma_start3A_168 = arith.constant 0 : i32
        %dma_start3A_169 = arith.constant 0 : i32
        %dma_start3A_170 = tpu.memref_slice %arg11[%dma_start3A_168, %dma_start3A_169] : memref<10240x128xf32, #tpu.memory_space<vmem_shared>> -> memref<10240x128xf32, #tpu.memory_space<vmem_shared>>
        tpu.enqueue_indirect_dma source(%arg9 : memref<128x128xf32, #tpu.memory_space<vmem>>) target(%dma_start3A_170 : memref<10240x128xf32, #tpu.memory_space<vmem_shared>>) offsets(%dma_start3A_167 : memref<128xi32, #tpu.memory_space<vmem>>) semaphore(%run_scoped3A : memref<!tpu.dma_semaphore, #tpu.memory_space<semaphore_mem>>) {add = true}
        %dma_wait3A_171 = arith.constant 0 : i32
        %dma_wait3A_172 = tpu.memref_slice %arg7[%add3A_114, %dma_wait3A_171] : memref<40x128xi32, #tpu.memory_space<vmem>> -> memref<1x128xi32, #tpu.memory_space<vmem>>
        %dma_wait3A_173 = tpu.memref_squeeze %dma_wait3A_172 : memref<1x128xi32, #tpu.memory_space<vmem>> -> memref<128xi32, #tpu.memory_space<vmem>>
        %dma_wait3A_174 = arith.constant 0 : i32
        %dma_wait3A_175 = arith.constant 0 : i32
        %dma_wait3A_176 = tpu.memref_slice %arg11[%dma_wait3A_174, %dma_wait3A_175] : memref<10240x128xf32, #tpu.memory_space<vmem_shared>> -> memref<10240x128xf32, #tpu.memory_space<vmem_shared>>
        tpu.wait_indirect_dma semaphore(%run_scoped3A : memref<!tpu.dma_semaphore, #tpu.memory_space<semaphore_mem>>) src(%arg9 : memref<128x128xf32, #tpu.memory_space<vmem>>) dst(%dma_wait3A_176 : memref<10240x128xf32, #tpu.memory_space<vmem_shared>>)
        tpu.yield
      }) : () -> ()
      %add3A_132 = arith.constant 2 : i32
      %add3A_133 = arith.addi %add3A_114, %add3A_132 : i32
      %lt3A = arith.constant 40 : i32
      %lt3A_134 = arith.cmpi slt, %add3A_133, %lt3A : i32
      %convert_element_type3A = arith.extui %lt3A_134 : i1 to i32
      %cond3A = arith.constant 0 : i32
      %cond3A_135 = arith.cmpi ne, %convert_element_type3A, %cond3A : i32
      scf.if %cond3A_135 {
        %add3A_165 = arith.constant 2 : i32
        %add3A_166 = arith.addi %add3A_114, %add3A_165 : i32
        %dma_start3A_167 = arith.constant 0 : i32
        %dma_start3A_168 = arith.constant 0 : i32
        %dma_start3A_169 = tpu.memref_slice %arg9[%dma_start3A_167, %dma_start3A_168] : memref<128x128xf32, #tpu.memory_space<vmem>> -> memref<64x128xf32, #tpu.memory_space<vmem>>
        %dma_start3A_170 = arith.constant 0 : i32
        %dma_start3A_171 = tpu.memref_slice %arg8[%add3A_166, %dma_start3A_170] : memref<40x128xi32, #tpu.memory_space<vmem>> -> memref<1x64xi32, #tpu.memory_space<vmem>>
        %dma_start3A_172 = tpu.memref_squeeze %dma_start3A_171 : memref<1x64xi32, #tpu.memory_space<vmem>> -> memref<64xi32, #tpu.memory_space<vmem>>
        %dma_start3A_173 = arith.constant 0 : i32
        %dma_start3A_174 = arith.constant 0 : i32
        %dma_start3A_175 = tpu.memref_slice %arg2[%dma_start3A_173, %dma_start3A_174] : memref<80000x128xf32, #tpu.memory_space<hbm>> -> memref<80000x128xf32, #tpu.memory_space<hbm>>
        tpu.enqueue_indirect_dma source(%dma_start3A_175 : memref<80000x128xf32, #tpu.memory_space<hbm>>) target(%dma_start3A_169 : memref<64x128xf32, #tpu.memory_space<vmem>>) offsets(%dma_start3A_172 : memref<64xi32, #tpu.memory_space<vmem>>) semaphore(%arg12 : memref<!tpu.dma_semaphore, #tpu.memory_space<semaphore_mem>>)
        %dma_start3A_176 = arith.constant 64 : i32
        %dma_start3A_177 = arith.constant 0 : i32
        %dma_start3A_178 = tpu.memref_slice %arg9[%dma_start3A_176, %dma_start3A_177] : memref<128x128xf32, #tpu.memory_space<vmem>> -> memref<64x128xf32, #tpu.memory_space<vmem>>
        %dma_start3A_179 = arith.constant 64 : i32
        %dma_start3A_180 = tpu.memref_slice %arg8[%add3A_166, %dma_start3A_179] : memref<40x128xi32, #tpu.memory_space<vmem>> -> memref<1x64xi32, #tpu.memory_space<vmem>>
        %dma_start3A_181 = tpu.memref_squeeze %dma_start3A_180 : memref<1x64xi32, #tpu.memory_space<vmem>> -> memref<64xi32, #tpu.memory_space<vmem>>
        %dma_start3A_182 = arith.constant 0 : i32
        %dma_start3A_183 = arith.constant 0 : i32
        %dma_start3A_184 = tpu.memref_slice %arg2[%dma_start3A_182, %dma_start3A_183] : memref<80000x128xf32, #tpu.memory_space<hbm>> -> memref<80000x128xf32, #tpu.memory_space<hbm>>
        tpu.enqueue_indirect_dma source(%dma_start3A_184 : memref<80000x128xf32, #tpu.memory_space<hbm>>) target(%dma_start3A_178 : memref<64x128xf32, #tpu.memory_space<vmem>>) offsets(%dma_start3A_181 : memref<64xi32, #tpu.memory_space<vmem>>) semaphore(%arg14 : memref<!tpu.dma_semaphore, #tpu.memory_space<semaphore_mem>>)
      } else {
      }
      %mul3A_136 = arith.constant 2 : i32
      %mul3A_137 = arith.muli %scan3A_110, %mul3A_136 : i32
      %add3A_138 = arith.constant 1 : i32
      %add3A_139 = arith.addi %mul3A_137, %add3A_138 : i32
      %dma_wait3A_140 = arith.constant 0 : i32
      %dma_wait3A_141 = arith.constant 0 : i32
      %dma_wait3A_142 = tpu.memref_slice %arg10[%dma_wait3A_140, %dma_wait3A_141] : memref<128x128xf32, #tpu.memory_space<vmem>> -> memref<64x128xf32, #tpu.memory_space<vmem>>
      %dma_wait3A_143 = arith.constant 0 : i32
      %dma_wait3A_144 = tpu.memref_slice %arg8[%add3A_139, %dma_wait3A_143] : memref<40x128xi32, #tpu.memory_space<vmem>> -> memref<1x64xi32, #tpu.memory_space<vmem>>
      %dma_wait3A_145 = tpu.memref_squeeze %dma_wait3A_144 : memref<1x64xi32, #tpu.memory_space<vmem>> -> memref<64xi32, #tpu.memory_space<vmem>>
      %dma_wait3A_146 = arith.constant 0 : i32
      %dma_wait3A_147 = arith.constant 0 : i32
      %dma_wait3A_148 = tpu.memref_slice %arg2[%dma_wait3A_146, %dma_wait3A_147] : memref<80000x128xf32, #tpu.memory_space<hbm>> -> memref<80000x128xf32, #tpu.memory_space<hbm>>
      tpu.wait_indirect_dma semaphore(%arg13 : memref<!tpu.dma_semaphore, #tpu.memory_space<semaphore_mem>>) src(%dma_wait3A_148 : memref<80000x128xf32, #tpu.memory_space<hbm>>) dst(%dma_wait3A_142 : memref<64x128xf32, #tpu.memory_space<vmem>>)
      %dma_wait3A_149 = arith.constant 64 : i32
      %dma_wait3A_150 = arith.constant 0 : i32
      %dma_wait3A_151 = tpu.memref_slice %arg10[%dma_wait3A_149, %dma_wait3A_150] : memref<128x128xf32, #tpu.memory_space<vmem>> -> memref<64x128xf32, #tpu.memory_space<vmem>>
      %dma_wait3A_152 = arith.constant 64 : i32
      %dma_wait3A_153 = tpu.memref_slice %arg8[%add3A_139, %dma_wait3A_152] : memref<40x128xi32, #tpu.memory_space<vmem>> -> memref<1x64xi32, #tpu.memory_space<vmem>>
      %dma_wait3A_154 = tpu.memref_squeeze %dma_wait3A_153 : memref<1x64xi32, #tpu.memory_space<vmem>> -> memref<64xi32, #tpu.memory_space<vmem>>
      %dma_wait3A_155 = arith.constant 0 : i32
      %dma_wait3A_156 = arith.constant 0 : i32
      %dma_wait3A_157 = tpu.memref_slice %arg2[%dma_wait3A_155, %dma_wait3A_156] : memref<80000x128xf32, #tpu.memory_space<hbm>> -> memref<80000x128xf32, #tpu.memory_space<hbm>>
      tpu.wait_indirect_dma semaphore(%arg15 : memref<!tpu.dma_semaphore, #tpu.memory_space<semaphore_mem>>) src(%dma_wait3A_157 : memref<80000x128xf32, #tpu.memory_space<hbm>>) dst(%dma_wait3A_151 : memref<64x128xf32, #tpu.memory_space<vmem>>)
      "tpu.region"() ({
        %run_scoped3A = tpu.sem_alloc : memref<!tpu.dma_semaphore, #tpu.memory_space<semaphore_mem>>
        %dma_start3A_165 = arith.constant 0 : i32
        %dma_start3A_166 = tpu.memref_slice %arg7[%add3A_139, %dma_start3A_165] : memref<40x128xi32, #tpu.memory_space<vmem>> -> memref<1x128xi32, #tpu.memory_space<vmem>>
        %dma_start3A_167 = tpu.memref_squeeze %dma_start3A_166 : memref<1x128xi32, #tpu.memory_space<vmem>> -> memref<128xi32, #tpu.memory_space<vmem>>
        %dma_start3A_168 = arith.constant 0 : i32
        %dma_start3A_169 = arith.constant 0 : i32
        %dma_start3A_170 = tpu.memref_slice %arg11[%dma_start3A_168, %dma_start3A_169] : memref<10240x128xf32, #tpu.memory_space<vmem_shared>> -> memref<10240x128xf32, #tpu.memory_space<vmem_shared>>
        tpu.enqueue_indirect_dma source(%arg10 : memref<128x128xf32, #tpu.memory_space<vmem>>) target(%dma_start3A_170 : memref<10240x128xf32, #tpu.memory_space<vmem_shared>>) offsets(%dma_start3A_167 : memref<128xi32, #tpu.memory_space<vmem>>) semaphore(%run_scoped3A : memref<!tpu.dma_semaphore, #tpu.memory_space<semaphore_mem>>) {add = true}
        %dma_wait3A_171 = arith.constant 0 : i32
        %dma_wait3A_172 = tpu.memref_slice %arg7[%add3A_139, %dma_wait3A_171] : memref<40x128xi32, #tpu.memory_space<vmem>> -> memref<1x128xi32, #tpu.memory_space<vmem>>
        %dma_wait3A_173 = tpu.memref_squeeze %dma_wait3A_172 : memref<1x128xi32, #tpu.memory_space<vmem>> -> memref<128xi32, #tpu.memory_space<vmem>>
        %dma_wait3A_174 = arith.constant 0 : i32
        %dma_wait3A_175 = arith.constant 0 : i32
        %dma_wait3A_176 = tpu.memref_slice %arg11[%dma_wait3A_174, %dma_wait3A_175] : memref<10240x128xf32, #tpu.memory_space<vmem_shared>> -> memref<10240x128xf32, #tpu.memory_space<vmem_shared>>
        tpu.wait_indirect_dma semaphore(%run_scoped3A : memref<!tpu.dma_semaphore, #tpu.memory_space<semaphore_mem>>) src(%arg10 : memref<128x128xf32, #tpu.memory_space<vmem>>) dst(%dma_wait3A_176 : memref<10240x128xf32, #tpu.memory_space<vmem_shared>>)
        tpu.yield
      }) : () -> ()
      %add3A_158 = arith.constant 2 : i32
      %add3A_159 = arith.addi %add3A_139, %add3A_158 : i32
      %lt3A_160 = arith.constant 40 : i32
      %lt3A_161 = arith.cmpi slt, %add3A_159, %lt3A_160 : i32
      %convert_element_type3A_162 = arith.extui %lt3A_161 : i1 to i32
      %cond3A_163 = arith.constant 0 : i32
      %cond3A_164 = arith.cmpi ne, %convert_element_type3A_162, %cond3A_163 : i32
      scf.if %cond3A_164 {
        %add3A_165 = arith.constant 2 : i32
        %add3A_166 = arith.addi %add3A_139, %add3A_165 : i32
        %dma_start3A_167 = arith.constant 0 : i32
        %dma_start3A_168 = arith.constant 0 : i32
        %dma_start3A_169 = tpu.memref_slice %arg10[%dma_start3A_167, %dma_start3A_168] : memref<128x128xf32, #tpu.memory_space<vmem>> -> memref<64x128xf32, #tpu.memory_space<vmem>>
        %dma_start3A_170 = arith.constant 0 : i32
        %dma_start3A_171 = tpu.memref_slice %arg8[%add3A_166, %dma_start3A_170] : memref<40x128xi32, #tpu.memory_space<vmem>> -> memref<1x64xi32, #tpu.memory_space<vmem>>
        %dma_start3A_172 = tpu.memref_squeeze %dma_start3A_171 : memref<1x64xi32, #tpu.memory_space<vmem>> -> memref<64xi32, #tpu.memory_space<vmem>>
        %dma_start3A_173 = arith.constant 0 : i32
        %dma_start3A_174 = arith.constant 0 : i32
        %dma_start3A_175 = tpu.memref_slice %arg2[%dma_start3A_173, %dma_start3A_174] : memref<80000x128xf32, #tpu.memory_space<hbm>> -> memref<80000x128xf32, #tpu.memory_space<hbm>>
        tpu.enqueue_indirect_dma source(%dma_start3A_175 : memref<80000x128xf32, #tpu.memory_space<hbm>>) target(%dma_start3A_169 : memref<64x128xf32, #tpu.memory_space<vmem>>) offsets(%dma_start3A_172 : memref<64xi32, #tpu.memory_space<vmem>>) semaphore(%arg13 : memref<!tpu.dma_semaphore, #tpu.memory_space<semaphore_mem>>)
        %dma_start3A_176 = arith.constant 64 : i32
        %dma_start3A_177 = arith.constant 0 : i32
        %dma_start3A_178 = tpu.memref_slice %arg10[%dma_start3A_176, %dma_start3A_177] : memref<128x128xf32, #tpu.memory_space<vmem>> -> memref<64x128xf32, #tpu.memory_space<vmem>>
        %dma_start3A_179 = arith.constant 64 : i32
        %dma_start3A_180 = tpu.memref_slice %arg8[%add3A_166, %dma_start3A_179] : memref<40x128xi32, #tpu.memory_space<vmem>> -> memref<1x64xi32, #tpu.memory_space<vmem>>
        %dma_start3A_181 = tpu.memref_squeeze %dma_start3A_180 : memref<1x64xi32, #tpu.memory_space<vmem>> -> memref<64xi32, #tpu.memory_space<vmem>>
        %dma_start3A_182 = arith.constant 0 : i32
        %dma_start3A_183 = arith.constant 0 : i32
        %dma_start3A_184 = tpu.memref_slice %arg2[%dma_start3A_182, %dma_start3A_183] : memref<80000x128xf32, #tpu.memory_space<hbm>> -> memref<80000x128xf32, #tpu.memory_space<hbm>>
        tpu.enqueue_indirect_dma source(%dma_start3A_184 : memref<80000x128xf32, #tpu.memory_space<hbm>>) target(%dma_start3A_178 : memref<64x128xf32, #tpu.memory_space<vmem>>) offsets(%dma_start3A_181 : memref<64xi32, #tpu.memory_space<vmem>>) semaphore(%arg15 : memref<!tpu.dma_semaphore, #tpu.memory_space<semaphore_mem>>)
      } else {
      }
    }
    %scan3A_104 = arith.constant 20 : i32
    %barrier3A_105 = arith.constant 0 : index
    tpu.barrier barrier_id(%barrier3A_105)
    %mul3A_106 = arith.constant 640 : i32
    %mul3A_107 = arith.muli %arg1, %mul3A_106 : i32
    %mul3A_108 = arith.constant 640 : i32
    %mul3A_109 = arith.muli %arg1, %mul3A_108 : i32
    "tpu.region"() ({
      %run_scoped3A = tpu.sem_alloc : memref<!tpu.dma_semaphore, #tpu.memory_space<semaphore_mem>>
      %dma_start3A_110 = arith.constant 0 : i32
      %dma_start3A_111 = tpu.memref_slice %arg6[%arg0, %mul3A_109, %dma_start3A_110] : memref<2x10240x128xf32, #tpu.memory_space<hbm>> -> memref<1x640x128xf32, #tpu.memory_space<hbm>>
      %dma_start3A_112 = tpu.memref_squeeze %dma_start3A_111 : memref<1x640x128xf32, #tpu.memory_space<hbm>> -> memref<640x128xf32, #tpu.memory_space<hbm>>
      %dma_start3A_113 = arith.constant 0 : i32
      %dma_start3A_114 = tpu.memref_slice %arg11[%mul3A_107, %dma_start3A_113] : memref<10240x128xf32, #tpu.memory_space<vmem_shared>> -> memref<640x128xf32, #tpu.memory_space<vmem_shared>>
      tpu.enqueue_dma source(%dma_start3A_114 : memref<640x128xf32, #tpu.memory_space<vmem_shared>>) target(%dma_start3A_112 : memref<640x128xf32, #tpu.memory_space<hbm>>) target_semaphore(%run_scoped3A : memref<!tpu.dma_semaphore, #tpu.memory_space<semaphore_mem>>)
      %dma_wait3A = arith.constant 0 : i32
      %dma_wait3A_115 = tpu.memref_slice %arg6[%arg0, %mul3A_109, %dma_wait3A] : memref<2x10240x128xf32, #tpu.memory_space<hbm>> -> memref<1x640x128xf32, #tpu.memory_space<hbm>>
      %dma_wait3A_116 = tpu.memref_squeeze %dma_wait3A_115 : memref<1x640x128xf32, #tpu.memory_space<hbm>> -> memref<640x128xf32, #tpu.memory_space<hbm>>
      %dma_wait3A_117 = arith.constant 0 : i32
      %dma_wait3A_118 = tpu.memref_slice %arg11[%mul3A_107, %dma_wait3A_117] : memref<10240x128xf32, #tpu.memory_space<vmem_shared>> -> memref<640x128xf32, #tpu.memory_space<vmem_shared>>
      tpu.wait_dma2 semaphore(%run_scoped3A : memref<!tpu.dma_semaphore, #tpu.memory_space<semaphore_mem>>) src(%dma_wait3A_118 : memref<640x128xf32, #tpu.memory_space<vmem_shared>>) dst(%dma_wait3A_116 : memref<640x128xf32, #tpu.memory_space<hbm>>)
      tpu.yield
    }) : () -> ()
    return
  }
}

module attributes {stable_mosaic.version = 14 : i64} {
  func.func @_combine_body(%arg0: i32, %arg1: memref<2x1000x128xf32, #tpu.memory_space<vmem>>, %arg2: memref<1x128xf32, #tpu.memory_space<vmem>>, %arg3: memref<1000x128xf32, #tpu.memory_space<vmem>>) attributes {dimension_semantics = [#tpu.dimension_semantics<arbitrary>], iteration_bounds = array<i64: 10>, scalar_prefetch = 0 : i64, scratch_operands = 0 : i64, tpu.core_type = #tpu.core_type<tc>, window_params = [{transform_indices = @transform_0, window_bounds = array<i64: 2, 1000, 128>}, {pipeline_mode = #tpu.pipeline_mode<synchronous>, transform_indices = @transform_1, window_bounds = array<i64: 1, 128>}, {transform_indices = @transform_2, window_bounds = array<i64: 1000, 128>}]} {
    %get3A = arith.constant 0 : index
    %get3A_0 = arith.constant 0 : index
    %get3A_1 = arith.constant 0 : index
    %get3A_2 = vector.load %arg1[%get3A, %get3A_0, %get3A_1] : memref<2x1000x128xf32, #tpu.memory_space<vmem>>, vector<1x1000x128xf32>
    %get3A_3 = vector.shape_cast %get3A_2 : vector<1x1000x128xf32> to vector<1000x128xf32>
    %get3A_4 = arith.constant 1 : index
    %get3A_5 = arith.constant 0 : index
    %get3A_6 = arith.constant 0 : index
    %get3A_7 = vector.load %arg1[%get3A_4, %get3A_5, %get3A_6] : memref<2x1000x128xf32, #tpu.memory_space<vmem>>, vector<1x1000x128xf32>
    %get3A_8 = vector.shape_cast %get3A_7 : vector<1x1000x128xf32> to vector<1000x128xf32>
    %add3A = arith.addf %get3A_3, %get3A_8 : vector<1000x128xf32>
    %get3A_9 = arith.constant 0 : index
    %get3A_10 = arith.constant 0 : index
    %get3A_11 = vector.load %arg2[%get3A_9, %get3A_10] : memref<1x128xf32, #tpu.memory_space<vmem>>, vector<1x128xf32>
    %add3A_12 = vector.broadcast %get3A_11 : vector<1x128xf32> to vector<1000x128xf32>
    %add3A_13 = arith.addf %add3A, %add3A_12 : vector<1000x128xf32>
    %swap3A = arith.constant 0 : index
    %swap3A_14 = arith.constant 0 : index
    %swap3A_15 = vector.load %arg3[%swap3A, %swap3A_14] : memref<1000x128xf32, #tpu.memory_space<vmem>>, vector<1000x128xf32>
    tpu.vector_store %arg3[%swap3A, %swap3A_14], %add3A_13 {strides = array<i32>} : memref<1000x128xf32, #tpu.memory_space<vmem>>, vector<1000x128xf32>,
    return
  }
  func.func @transform_0(%arg0: i32) -> (i32, i32, i32) {
    %c0_i32 = arith.constant 0 : i32
    %c0_i32_0 = arith.constant 0 : i32
    %c0_i32_1 = arith.constant 0 : i32
    return %c0_i32, %arg0, %c0_i32_0 : i32, i32, i32
  }
  func.func @transform_1(%arg0: i32) -> (i32, i32) {
    %c0_i32 = arith.constant 0 : i32
    %c0_i32_0 = arith.constant 0 : i32
    %c0_i32_1 = arith.constant 0 : i32
    return %c0_i32, %c0_i32_0 : i32, i32
  }
  func.func @transform_2(%arg0: i32) -> (i32, i32) {
    %c0_i32 = arith.constant 0 : i32
    %c0_i32_0 = arith.constant 0 : i32
    return %arg0, %c0_i32 : i32, i32
  }
}

module attributes {stable_mosaic.version = 14 : i64} {
  func.func @_transform_body(%arg0: i32, %arg1: memref<1000x128xf32, #tpu.memory_space<vmem>>, %arg2: memref<8x128x128xf32, #tpu.memory_space<vmem>>, %arg3: memref<2x2500x128xi32, #tpu.memory_space<vmem>>, %arg4: memref<2500x128xi32, #tpu.memory_space<vmem>>, %arg5: memref<8x1000x128xf32, #tpu.memory_space<vmem>>, %arg6: memref<2560x128xi32, #tpu.memory_space<vmem>>, %arg7: memref<2560x128xi32, #tpu.memory_space<vmem>>) attributes {dimension_semantics = [#tpu.dimension_semantics<arbitrary>], iteration_bounds = array<i64: 10>, scalar_prefetch = 0 : i64, scratch_operands = 0 : i64, tpu.core_type = #tpu.core_type<tc>, window_params = [{transform_indices = @transform_0, window_bounds = array<i64: 1000, 128>}, {pipeline_mode = #tpu.pipeline_mode<synchronous>, transform_indices = @transform_1, window_bounds = array<i64: 8, 128, 128>}, {pipeline_mode = #tpu.pipeline_mode<synchronous>, transform_indices = @transform_2, window_bounds = array<i64: 2, 2500, 128>}, {pipeline_mode = #tpu.pipeline_mode<synchronous>, transform_indices = @transform_3, window_bounds = array<i64: 2500, 128>}, {transform_indices = @transform_4, window_bounds = array<i64: 8, 1000, 128>}, {pipeline_mode = #tpu.pipeline_mode<synchronous>, transform_indices = @transform_5, window_bounds = array<i64: 2560, 128>}, {pipeline_mode = #tpu.pipeline_mode<synchronous>, transform_indices = @transform_6, window_bounds = array<i64: 2560, 128>}]} {
    %get3A = arith.constant 0 : index
    %get3A_0 = arith.constant 0 : index
    %get3A_1 = vector.load %arg1[%get3A, %get3A_0] : memref<1000x128xf32, #tpu.memory_space<vmem>>, vector<1000x128xf32>
    %get3A_2 = arith.constant 0 : index
    %get3A_3 = arith.constant 0 : index
    %get3A_4 = arith.constant 0 : index
    %get3A_5 = vector.load %arg2[%get3A_2, %get3A_3, %get3A_4] : memref<8x128x128xf32, #tpu.memory_space<vmem>>, vector<1x128x128xf32>
    %get3A_6 = vector.shape_cast %get3A_5 : vector<1x128x128xf32> to vector<128x128xf32>
    %dot_general3A = arith.constant dense<0.000000e+00> : vector<1000x128xf32>
    %dot_general3A_7 = tpu.matmul %get3A_1, %get3A_6, %dot_general3A {dimension_numbers = #tpu.dot_dimension_numbers<[1], [0], [0], [1], [0, 0, 1, 1], [], []>, transpose_lhs_hint = false} : vector<1000x128xf32>, vector<128x128xf32>, vector<1000x128xf32> -> vector<1000x128xf32>
    %swap3A = arith.constant 0 : index
    %swap3A_8 = arith.constant 0 : index
    %swap3A_9 = arith.constant 0 : index
    %swap3A_10 = vector.load %arg5[%swap3A, %swap3A_8, %swap3A_9] : memref<8x1000x128xf32, #tpu.memory_space<vmem>>, vector<1x1000x128xf32>
    %swap3A_11 = vector.shape_cast %swap3A_10 : vector<1x1000x128xf32> to vector<1000x128xf32>
    %swap3A_12 = vector.shape_cast %dot_general3A_7 : vector<1000x128xf32> to vector<1x1000x128xf32>
    tpu.vector_store %arg5[%swap3A, %swap3A_8, %swap3A_9], %swap3A_12 {strides = array<i32>} : memref<8x1000x128xf32, #tpu.memory_space<vmem>>, vector<1x1000x128xf32>,
    %get3A_13 = arith.constant 0 : index
    %get3A_14 = arith.constant 0 : index
    %get3A_15 = vector.load %arg1[%get3A_13, %get3A_14] : memref<1000x128xf32, #tpu.memory_space<vmem>>, vector<1000x128xf32>
    %get3A_16 = arith.constant 1 : index
    %get3A_17 = arith.constant 0 : index
    %get3A_18 = arith.constant 0 : index
    %get3A_19 = vector.load %arg2[%get3A_16, %get3A_17, %get3A_18] : memref<8x128x128xf32, #tpu.memory_space<vmem>>, vector<1x128x128xf32>
    %get3A_20 = vector.shape_cast %get3A_19 : vector<1x128x128xf32> to vector<128x128xf32>
    %dot_general3A_21 = arith.constant dense<0.000000e+00> : vector<1000x128xf32>
    %dot_general3A_22 = tpu.matmul %get3A_15, %get3A_20, %dot_general3A_21 {dimension_numbers = #tpu.dot_dimension_numbers<[1], [0], [0], [1], [0, 0, 1, 1], [], []>, transpose_lhs_hint = false} : vector<1000x128xf32>, vector<128x128xf32>, vector<1000x128xf32> -> vector<1000x128xf32>
    %swap3A_23 = arith.constant 1 : index
    %swap3A_24 = arith.constant 0 : index
    %swap3A_25 = arith.constant 0 : index
    %swap3A_26 = vector.load %arg5[%swap3A_23, %swap3A_24, %swap3A_25] : memref<8x1000x128xf32, #tpu.memory_space<vmem>>, vector<1x1000x128xf32>
    %swap3A_27 = vector.shape_cast %swap3A_26 : vector<1x1000x128xf32> to vector<1000x128xf32>
    %swap3A_28 = vector.shape_cast %dot_general3A_22 : vector<1000x128xf32> to vector<1x1000x128xf32>
    tpu.vector_store %arg5[%swap3A_23, %swap3A_24, %swap3A_25], %swap3A_28 {strides = array<i32>} : memref<8x1000x128xf32, #tpu.memory_space<vmem>>, vector<1x1000x128xf32>,
    %get3A_29 = arith.constant 0 : index
    %get3A_30 = arith.constant 0 : index
    %get3A_31 = vector.load %arg1[%get3A_29, %get3A_30] : memref<1000x128xf32, #tpu.memory_space<vmem>>, vector<1000x128xf32>
    %get3A_32 = arith.constant 2 : index
    %get3A_33 = arith.constant 0 : index
    %get3A_34 = arith.constant 0 : index
    %get3A_35 = vector.load %arg2[%get3A_32, %get3A_33, %get3A_34] : memref<8x128x128xf32, #tpu.memory_space<vmem>>, vector<1x128x128xf32>
    %get3A_36 = vector.shape_cast %get3A_35 : vector<1x128x128xf32> to vector<128x128xf32>
    %dot_general3A_37 = arith.constant dense<0.000000e+00> : vector<1000x128xf32>
    %dot_general3A_38 = tpu.matmul %get3A_31, %get3A_36, %dot_general3A_37 {dimension_numbers = #tpu.dot_dimension_numbers<[1], [0], [0], [1], [0, 0, 1, 1], [], []>, transpose_lhs_hint = false} : vector<1000x128xf32>, vector<128x128xf32>, vector<1000x128xf32> -> vector<1000x128xf32>
    %swap3A_39 = arith.constant 2 : index
    %swap3A_40 = arith.constant 0 : index
    %swap3A_41 = arith.constant 0 : index
    %swap3A_42 = vector.load %arg5[%swap3A_39, %swap3A_40, %swap3A_41] : memref<8x1000x128xf32, #tpu.memory_space<vmem>>, vector<1x1000x128xf32>
    %swap3A_43 = vector.shape_cast %swap3A_42 : vector<1x1000x128xf32> to vector<1000x128xf32>
    %swap3A_44 = vector.shape_cast %dot_general3A_38 : vector<1000x128xf32> to vector<1x1000x128xf32>
    tpu.vector_store %arg5[%swap3A_39, %swap3A_40, %swap3A_41], %swap3A_44 {strides = array<i32>} : memref<8x1000x128xf32, #tpu.memory_space<vmem>>, vector<1x1000x128xf32>,
    %get3A_45 = arith.constant 0 : index
    %get3A_46 = arith.constant 0 : index
    %get3A_47 = vector.load %arg1[%get3A_45, %get3A_46] : memref<1000x128xf32, #tpu.memory_space<vmem>>, vector<1000x128xf32>
    %get3A_48 = arith.constant 3 : index
    %get3A_49 = arith.constant 0 : index
    %get3A_50 = arith.constant 0 : index
    %get3A_51 = vector.load %arg2[%get3A_48, %get3A_49, %get3A_50] : memref<8x128x128xf32, #tpu.memory_space<vmem>>, vector<1x128x128xf32>
    %get3A_52 = vector.shape_cast %get3A_51 : vector<1x128x128xf32> to vector<128x128xf32>
    %dot_general3A_53 = arith.constant dense<0.000000e+00> : vector<1000x128xf32>
    %dot_general3A_54 = tpu.matmul %get3A_47, %get3A_52, %dot_general3A_53 {dimension_numbers = #tpu.dot_dimension_numbers<[1], [0], [0], [1], [0, 0, 1, 1], [], []>, transpose_lhs_hint = false} : vector<1000x128xf32>, vector<128x128xf32>, vector<1000x128xf32> -> vector<1000x128xf32>
    %swap3A_55 = arith.constant 3 : index
    %swap3A_56 = arith.constant 0 : index
    %swap3A_57 = arith.constant 0 : index
    %swap3A_58 = vector.load %arg5[%swap3A_55, %swap3A_56, %swap3A_57] : memref<8x1000x128xf32, #tpu.memory_space<vmem>>, vector<1x1000x128xf32>
    %swap3A_59 = vector.shape_cast %swap3A_58 : vector<1x1000x128xf32> to vector<1000x128xf32>
    %swap3A_60 = vector.shape_cast %dot_general3A_54 : vector<1000x128xf32> to vector<1x1000x128xf32>
    tpu.vector_store %arg5[%swap3A_55, %swap3A_56, %swap3A_57], %swap3A_60 {strides = array<i32>} : memref<8x1000x128xf32, #tpu.memory_space<vmem>>, vector<1x1000x128xf32>,
    %get3A_61 = arith.constant 0 : index
    %get3A_62 = arith.constant 0 : index
    %get3A_63 = vector.load %arg1[%get3A_61, %get3A_62] : memref<1000x128xf32, #tpu.memory_space<vmem>>, vector<1000x128xf32>
    %get3A_64 = arith.constant 4 : index
    %get3A_65 = arith.constant 0 : index
    %get3A_66 = arith.constant 0 : index
    %get3A_67 = vector.load %arg2[%get3A_64, %get3A_65, %get3A_66] : memref<8x128x128xf32, #tpu.memory_space<vmem>>, vector<1x128x128xf32>
    %get3A_68 = vector.shape_cast %get3A_67 : vector<1x128x128xf32> to vector<128x128xf32>
    %dot_general3A_69 = arith.constant dense<0.000000e+00> : vector<1000x128xf32>
    %dot_general3A_70 = tpu.matmul %get3A_63, %get3A_68, %dot_general3A_69 {dimension_numbers = #tpu.dot_dimension_numbers<[1], [0], [0], [1], [0, 0, 1, 1], [], []>, transpose_lhs_hint = false} : vector<1000x128xf32>, vector<128x128xf32>, vector<1000x128xf32> -> vector<1000x128xf32>
    %swap3A_71 = arith.constant 4 : index
    %swap3A_72 = arith.constant 0 : index
    %swap3A_73 = arith.constant 0 : index
    %swap3A_74 = vector.load %arg5[%swap3A_71, %swap3A_72, %swap3A_73] : memref<8x1000x128xf32, #tpu.memory_space<vmem>>, vector<1x1000x128xf32>
    %swap3A_75 = vector.shape_cast %swap3A_74 : vector<1x1000x128xf32> to vector<1000x128xf32>
    %swap3A_76 = vector.shape_cast %dot_general3A_70 : vector<1000x128xf32> to vector<1x1000x128xf32>
    tpu.vector_store %arg5[%swap3A_71, %swap3A_72, %swap3A_73], %swap3A_76 {strides = array<i32>} : memref<8x1000x128xf32, #tpu.memory_space<vmem>>, vector<1x1000x128xf32>,
    %get3A_77 = arith.constant 0 : index
    %get3A_78 = arith.constant 0 : index
    %get3A_79 = vector.load %arg1[%get3A_77, %get3A_78] : memref<1000x128xf32, #tpu.memory_space<vmem>>, vector<1000x128xf32>
    %get3A_80 = arith.constant 5 : index
    %get3A_81 = arith.constant 0 : index
    %get3A_82 = arith.constant 0 : index
    %get3A_83 = vector.load %arg2[%get3A_80, %get3A_81, %get3A_82] : memref<8x128x128xf32, #tpu.memory_space<vmem>>, vector<1x128x128xf32>
    %get3A_84 = vector.shape_cast %get3A_83 : vector<1x128x128xf32> to vector<128x128xf32>
    %dot_general3A_85 = arith.constant dense<0.000000e+00> : vector<1000x128xf32>
    %dot_general3A_86 = tpu.matmul %get3A_79, %get3A_84, %dot_general3A_85 {dimension_numbers = #tpu.dot_dimension_numbers<[1], [0], [0], [1], [0, 0, 1, 1], [], []>, transpose_lhs_hint = false} : vector<1000x128xf32>, vector<128x128xf32>, vector<1000x128xf32> -> vector<1000x128xf32>
    %swap3A_87 = arith.constant 5 : index
    %swap3A_88 = arith.constant 0 : index
    %swap3A_89 = arith.constant 0 : index
    %swap3A_90 = vector.load %arg5[%swap3A_87, %swap3A_88, %swap3A_89] : memref<8x1000x128xf32, #tpu.memory_space<vmem>>, vector<1x1000x128xf32>
    %swap3A_91 = vector.shape_cast %swap3A_90 : vector<1x1000x128xf32> to vector<1000x128xf32>
    %swap3A_92 = vector.shape_cast %dot_general3A_86 : vector<1000x128xf32> to vector<1x1000x128xf32>
    tpu.vector_store %arg5[%swap3A_87, %swap3A_88, %swap3A_89], %swap3A_92 {strides = array<i32>} : memref<8x1000x128xf32, #tpu.memory_space<vmem>>, vector<1x1000x128xf32>,
    %get3A_93 = arith.constant 0 : index
    %get3A_94 = arith.constant 0 : index
    %get3A_95 = vector.load %arg1[%get3A_93, %get3A_94] : memref<1000x128xf32, #tpu.memory_space<vmem>>, vector<1000x128xf32>
    %get3A_96 = arith.constant 6 : index
    %get3A_97 = arith.constant 0 : index
    %get3A_98 = arith.constant 0 : index
    %get3A_99 = vector.load %arg2[%get3A_96, %get3A_97, %get3A_98] : memref<8x128x128xf32, #tpu.memory_space<vmem>>, vector<1x128x128xf32>
    %get3A_100 = vector.shape_cast %get3A_99 : vector<1x128x128xf32> to vector<128x128xf32>
    %dot_general3A_101 = arith.constant dense<0.000000e+00> : vector<1000x128xf32>
    %dot_general3A_102 = tpu.matmul %get3A_95, %get3A_100, %dot_general3A_101 {dimension_numbers = #tpu.dot_dimension_numbers<[1], [0], [0], [1], [0, 0, 1, 1], [], []>, transpose_lhs_hint = false} : vector<1000x128xf32>, vector<128x128xf32>, vector<1000x128xf32> -> vector<1000x128xf32>
    %swap3A_103 = arith.constant 6 : index
    %swap3A_104 = arith.constant 0 : index
    %swap3A_105 = arith.constant 0 : index
    %swap3A_106 = vector.load %arg5[%swap3A_103, %swap3A_104, %swap3A_105] : memref<8x1000x128xf32, #tpu.memory_space<vmem>>, vector<1x1000x128xf32>
    %swap3A_107 = vector.shape_cast %swap3A_106 : vector<1x1000x128xf32> to vector<1000x128xf32>
    %swap3A_108 = vector.shape_cast %dot_general3A_102 : vector<1000x128xf32> to vector<1x1000x128xf32>
    tpu.vector_store %arg5[%swap3A_103, %swap3A_104, %swap3A_105], %swap3A_108 {strides = array<i32>} : memref<8x1000x128xf32, #tpu.memory_space<vmem>>, vector<1x1000x128xf32>,
    %get3A_109 = arith.constant 0 : index
    %get3A_110 = arith.constant 0 : index
    %get3A_111 = vector.load %arg1[%get3A_109, %get3A_110] : memref<1000x128xf32, #tpu.memory_space<vmem>>, vector<1000x128xf32>
    %get3A_112 = arith.constant 7 : index
    %get3A_113 = arith.constant 0 : index
    %get3A_114 = arith.constant 0 : index
    %get3A_115 = vector.load %arg2[%get3A_112, %get3A_113, %get3A_114] : memref<8x128x128xf32, #tpu.memory_space<vmem>>, vector<1x128x128xf32>
    %get3A_116 = vector.shape_cast %get3A_115 : vector<1x128x128xf32> to vector<128x128xf32>
    %dot_general3A_117 = arith.constant dense<0.000000e+00> : vector<1000x128xf32>
    %dot_general3A_118 = tpu.matmul %get3A_111, %get3A_116, %dot_general3A_117 {dimension_numbers = #tpu.dot_dimension_numbers<[1], [0], [0], [1], [0, 0, 1, 1], [], []>, transpose_lhs_hint = false} : vector<1000x128xf32>, vector<128x128xf32>, vector<1000x128xf32> -> vector<1000x128xf32>
    %swap3A_119 = arith.constant 7 : index
    %swap3A_120 = arith.constant 0 : index
    %swap3A_121 = arith.constant 0 : index
    %swap3A_122 = vector.load %arg5[%swap3A_119, %swap3A_120, %swap3A_121] : memref<8x1000x128xf32, #tpu.memory_space<vmem>>, vector<1x1000x128xf32>
    %swap3A_123 = vector.shape_cast %swap3A_122 : vector<1x1000x128xf32> to vector<1000x128xf32>
    %swap3A_124 = vector.shape_cast %dot_general3A_118 : vector<1000x128xf32> to vector<1x1000x128xf32>
    tpu.vector_store %arg5[%swap3A_119, %swap3A_120, %swap3A_121], %swap3A_124 {strides = array<i32>} : memref<8x1000x128xf32, #tpu.memory_space<vmem>>, vector<1x1000x128xf32>,
    %eq3A = arith.constant 0 : i32
    %eq3A_125 = arith.cmpi eq, %arg0, %eq3A : i32
    %convert_element_type3A = arith.extui %eq3A_125 : i1 to i32
    %cond3A = arith.constant 0 : i32
    %cond3A_126 = arith.cmpi ne, %convert_element_type3A, %cond3A : i32
    scf.if %cond3A_126 {
      %get3A_127 = arith.constant 0 : index
      %get3A_128 = arith.constant 0 : index
      %get3A_129 = arith.constant 0 : index
      %get3A_130 = vector.load %arg3[%get3A_127, %get3A_128, %get3A_129] : memref<2x2500x128xi32, #tpu.memory_space<vmem>>, vector<1x2500x128xi32>
      %get3A_131 = vector.shape_cast %get3A_130 : vector<1x2500x128xi32> to vector<2500x128xi32>
      %swap3A_132 = arith.constant 0 : index
      %swap3A_133 = arith.constant 0 : index
      %swap3A_134 = vector.load %arg6[%swap3A_132, %swap3A_133] : memref<2560x128xi32, #tpu.memory_space<vmem>>, vector<2500x128xi32>
      tpu.vector_store %arg6[%swap3A_132, %swap3A_133], %get3A_131 {strides = array<i32>} : memref<2560x128xi32, #tpu.memory_space<vmem>>, vector<2500x128xi32>,
      %get3A_135 = arith.constant 0 : index
      %get3A_136 = arith.constant 0 : index
      %get3A_137 = vector.load %arg4[%get3A_135, %get3A_136] : memref<2500x128xi32, #tpu.memory_space<vmem>>, vector<2500x128xi32>
      %mul3A = arith.constant 10000 : i32
      %mul3A_138 = vector.broadcast %mul3A : i32 to vector<2500x128xi32>
      %mul3A_139 = arith.muli %get3A_137, %mul3A_138 : vector<2500x128xi32>
      %get3A_140 = arith.constant 1 : index
      %get3A_141 = arith.constant 0 : index
      %get3A_142 = arith.constant 0 : index
      %get3A_143 = vector.load %arg3[%get3A_140, %get3A_141, %get3A_142] : memref<2x2500x128xi32, #tpu.memory_space<vmem>>, vector<1x2500x128xi32>
      %get3A_144 = vector.shape_cast %get3A_143 : vector<1x2500x128xi32> to vector<2500x128xi32>
      %add3A = arith.addi %mul3A_139, %get3A_144 : vector<2500x128xi32>
      %swap3A_145 = arith.constant 0 : index
      %swap3A_146 = arith.constant 0 : index
      %swap3A_147 = vector.load %arg7[%swap3A_145, %swap3A_146] : memref<2560x128xi32, #tpu.memory_space<vmem>>, vector<2500x128xi32>
      tpu.vector_store %arg7[%swap3A_145, %swap3A_146], %add3A {strides = array<i32>} : memref<2560x128xi32, #tpu.memory_space<vmem>>, vector<2500x128xi32>,
      %iota3A = tpu.iota {dimensions = array<i32: 1>} : vector<60x128xi32>
      %add3A_148 = arith.constant 10000 : i32
      %add3A_149 = vector.broadcast %add3A_148 : i32 to vector<60x128xi32>
      %add3A_150 = arith.addi %add3A_149, %iota3A : vector<60x128xi32>
      %swap3A_151 = arith.constant 2500 : index
      %swap3A_152 = arith.constant 0 : index
      %swap3A_153 = vector.load %arg6[%swap3A_151, %swap3A_152] : memref<2560x128xi32, #tpu.memory_space<vmem>>, vector<60x128xi32>
      tpu.vector_store %arg6[%swap3A_151, %swap3A_152], %add3A_150 {strides = array<i32>} : memref<2560x128xi32, #tpu.memory_space<vmem>>, vector<60x128xi32>,
      %swap3A_154 = arith.constant 2500 : index
      %swap3A_155 = arith.constant 0 : index
      %swap3A_156 = vector.load %arg7[%swap3A_154, %swap3A_155] : memref<2560x128xi32, #tpu.memory_space<vmem>>, vector<60x128xi32>
      tpu.vector_store %arg7[%swap3A_154, %swap3A_155], %iota3A {strides = array<i32>} : memref<2560x128xi32, #tpu.memory_space<vmem>>, vector<60x128xi32>,
    } else {
    }
    return
  }
  func.func @transform_0(%arg0: i32) -> (i32, i32) {
    %c0_i32 = arith.constant 0 : i32
    %c0_i32_0 = arith.constant 0 : i32
    return %arg0, %c0_i32 : i32, i32
  }
  func.func @transform_1(%arg0: i32) -> (i32, i32, i32) {
    %c0_i32 = arith.constant 0 : i32
    %c0_i32_0 = arith.constant 0 : i32
    %c0_i32_1 = arith.constant 0 : i32
    %c0_i32_2 = arith.constant 0 : i32
    return %c0_i32, %c0_i32_0, %c0_i32_1 : i32, i32, i32
  }
  func.func @transform_2(%arg0: i32) -> (i32, i32, i32) {
    %c0_i32 = arith.constant 0 : i32
    %c0_i32_0 = arith.constant 0 : i32
    %c0_i32_1 = arith.constant 0 : i32
    %c0_i32_2 = arith.constant 0 : i32
    return %c0_i32, %c0_i32_0, %c0_i32_1 : i32, i32, i32
  }
  func.func @transform_3(%arg0: i32) -> (i32, i32) {
    %c0_i32 = arith.constant 0 : i32
    %c0_i32_0 = arith.constant 0 : i32
    %c0_i32_1 = arith.constant 0 : i32
    return %c0_i32, %c0_i32_0 : i32, i32
  }
  func.func @transform_4(%arg0: i32) -> (i32, i32, i32) {
    %c0_i32 = arith.constant 0 : i32
    %c0_i32_0 = arith.constant 0 : i32
    %c0_i32_1 = arith.constant 0 : i32
    return %c0_i32, %arg0, %c0_i32_0 : i32, i32, i32
  }
  func.func @transform_5(%arg0: i32) -> (i32, i32) {
    %c0_i32 = arith.constant 0 : i32
    %c0_i32_0 = arith.constant 0 : i32
    %c0_i32_1 = arith.constant 0 : i32
    return %c0_i32, %c0_i32_0 : i32, i32
  }
  func.func @transform_6(%arg0: i32) -> (i32, i32) {
    %c0_i32 = arith.constant 0 : i32
    %c0_i32_0 = arith.constant 0 : i32
    %c0_i32_1 = arith.constant 0 : i32
    return %c0_i32, %c0_i32_0 : i32, i32
  }
}

</mosaic_0001>

<sc_bundles>
// kernel: kernel.5.cloned.1.call-start
scs
__scs_entry_jumppad:
0x0: {  	(pc) =	sbr.rel $0x88, $3  }
0x1: {  	(tag) =	ssettag $0x0;
	lr =	simm.s32 $0x1  }
0x2: {  	[smem:$0x3F9C] =	sst lr;
	_ =	strace $0xD0000000  }
0x3: {  	_ = 	snop  }
0x4: {  	_ = 	snop  }
0x5: {  	_ = 	snop  }
0x6: {  	_ = 	snop  }
0x7: {  	_ = 	snop  }
__scs_overlays_trampoline_lowered:
0x8: {  	[smem:$0x3FAB] =	sst s0  }
0x9: {  	[smem:$0x3FAC] =	sst s1  }
0xa: {  	[smem:$0x3FAD] =	sst s2  }
0xb: {  	[smem:$0x3FAE] =	sst s3  }
0xc: {  	[smem:$0x3FAF] =	sst s4  }
0xd: {  	[smem:$0x3FB0] =	sst s5  }
0xe: {  	[smem:$0x3FB1] =	sst s6  }
0xf: {  	[smem:$0x3FB2] =	sst s7  }
0x10: {  	[smem:$0x3FB3] =	sst s8  }
0x11: {  	[smem:$0x3FB4] =	sst s9;
	s0 =	simm.s32 @!p0 $0x0  }
0x12: {  	s1 =	sld [smem:$0x3F9A];
	s0 =	simm.s32 @p0 $0x1  }
0x13: {  	[smem:$0x3FB5] =	sst s0;
	s0 =	simm.s32 @!p1 $0x0  }
0x14: {  	s2 =	sld [smem:$0x3F99];
	s0 =	simm.s32 @p1 $0x1  }
0x15: {  	[smem:$0x3FB6] =	sst s0;
	s0 =	simm.s32 @!p2 $0x0  }
0x16: {  	s3 =	sld [smem:$0x3FDB];
	s0 =	simm.s32 @p2 $0x1  }
0x17: {  	s4 =	simm.s32 $0x1BF5;
	[smem:$0x3FB8] =	sst s0  }
0x18: {  	s0 =	sld [smem:$0x3F9B];
	_ =	swait.ge [sflag:s4], $0x0  }
0x19: {  	s7 =	sld [smem:$0x3F9C]  }
0x1a: {  	s8 =	sadd.s32 $0xFFFFE003, lr  }
0x1b: {  	s9 =	sadd.s32 $0xFFFFFEF7, lr;
	s5 =	simm.s32 $0xFFFFFFFF;
	p2 =	slt.u32 s8, $0xFFFFF086  }
0x1c: {  	p1 =	slt.u32 s9, $0xF7A;
	s5 =	simm.s32 @!p2 $0x0  }
0x1d: {  	s5 =	simm.s32 @p1 $0x1;
	p0 =	seq.s32 s7, s2  }
0x1e: {  	s7 =	smul.u32 @!p0 $0xF7A, s2;
	p2 =	seq.s32 @!p0 s5, $0x0  }
0x1f: {  	s9 =	smul.u32 $0xF7A, s1;
	s8 =	simm.s32 @!p0 $0x1BF5;
	p2 =	por !p2, p0  }
0x20: {  	[sflag:s8] =	ssyncset.s32 @!p0 $0xFFFFF086;
	s6 =	sadd.s32 @!p0 s3, s7;
	s7 =	simm.s32 @!p0 $0x108  }
0x21: {  	s3 =	sadd.s32 s3, s9;
	s6 =	sadd.s32 @!p0 $0x88, s6;
	s7 =	simm.s32 @p2 $0x1082  }
0x22: {  	[simem:s7], [sflag:s8] =	dma.local @!p0 [hbm:s6], $0xF7A  }
0x23: {  	s9 =	sor.u32 $0xD0000000, s2;
	s6 =	simm.s32 $0x108;
	_ =	swait.ge @!p0 [sflag:s8], $0x0  }
0x24: {  	s3 =	sadd.s32 $0x88, s3;
	s6 =	simm.s32 @!p1 $0x1082;
	[sflag:s4] =	ssyncset.s32 $0xFFFFF086  }
0x25: {  	[simem:s6], [sflag:s4] =	dma.local [hbm:s3], $0xF7A  }
0x26: {  	[smem:$0x3F9C] =	sst s1;
	(tag) =	ssettag s2;
	_ =	strace s9  }
0x27: {  	s1 =	sld [smem:$0x3FAC]  }
0x28: {  	s2 =	sld [smem:$0x3FAD]  }
0x29: {  	s4 =	sld [smem:$0x3FAF]  }
0x2a: {  	p0 =	seq.s32 s5, $0x0;
	s5 =	sld [smem:$0x3FB0]  }
0x2b: {  	s6 =	sld [smem:$0x3FB1]  }
0x2c: {  	s7 =	sld [smem:$0x3FB2]  }
0x2d: {  	s3 =	simm.s32 $0x108;
	s8 =	sld [smem:$0x3FB3]  }
0x2e: {  	s3 =	simm.s32 @!p0 $0x1082;
	s9 =	sld [smem:$0x3FB4]  }
0x2f: {  	lr =	sadd.s32 s0, s3;
	s0 =	sld [smem:$0x3FAB]  }
0x30: {  	s3 =	sld [smem:$0x3FAE]  }
0x31: {  	[smem:$0x3FB7] =	sst s10  }
0x32: {  	s10 =	sld [smem:$0x3FB5];
	_ =	sdelay $0x3  }
0x33: {  	p0 =	seq.s32 s10, $0x1;
	s10 =	sld [smem:$0x3FB7];
	_ =	sdelay $0x3  }
0x34: {  	[smem:$0x3FB7] =	sst s10  }
0x35: {  	s10 =	sld [smem:$0x3FB6];
	_ =	sdelay $0x3  }
0x36: {  	p1 =	seq.s32 s10, $0x1;
	s10 =	sld [smem:$0x3FB7];
	_ =	sdelay $0x3  }
0x37: {  	[smem:$0x3FB7] =	sst s10  }
0x38: {  	s10 =	sld [smem:$0x3FB8]  }
0x39: {  	_ = 	snop;
	(pc) =	sbr.ind lr, $3  }
0x3a: {  	_ = 	snop  }
0x3b: {  	_ = 	snop  }
0x3c: {  	p2 =	seq.s32 s10, $0x1;
	s10 =	sld [smem:$0x3FB7]  }
0x3d: {  	_ =	shalt  }
0x3e: {  	_ =	shalt  }
0x3f: {  	_ =	shalt  }
0x40: {  	_ =	shalt  }
0x41: {  	_ =	shalt  }
0x42: {  	_ =	shalt  }
0x43: {  	_ =	shalt  }
0x44: {  	_ =	shalt  }
0x45: {  	_ =	shalt  }
0x46: {  	_ =	shalt  }
0x47: {  	_ =	shalt  }
0x48: {  	_ =	shalt  }
0x49: {  	_ =	shalt  }
0x4a: {  	_ =	shalt  }
0x4b: {  	_ =	shalt  }
0x4c: {  	_ =	shalt  }
0x4d: {  	_ =	shalt  }
0x4e: {  	_ =	shalt  }
0x4f: {  	_ =	shalt  }
0x50: {  	_ =	shalt  }
0x51: {  	_ =	shalt  }
0x52: {  	_ =	shalt  }
0x53: {  	_ =	shalt  }
0x54: {  	_ =	shalt  }
0x55: {  	_ =	shalt  }
0x56: {  	_ =	shalt  }
0x57: {  	_ =	shalt  }
0x58: {  	_ =	shalt  }
0x59: {  	_ =	shalt  }
0x5a: {  	_ =	shalt  }
0x5b: {  	_ =	shalt  }
0x5c: {  	_ =	shalt  }
0x5d: {  	_ =	shalt  }
0x5e: {  	_ =	shalt  }
0x5f: {  	_ =	shalt  }
0x60: {  	_ =	shalt  }
0x61: {  	_ =	shalt  }
0x62: {  	_ =	shalt  }
0x63: {  	_ =	shalt  }
0x64: {  	_ =	shalt  }
0x65: {  	_ =	shalt  }
0x66: {  	_ =	shalt  }
0x67: {  	_ =	shalt  }
0x68: {  	_ =	shalt  }
0x69: {  	_ =	shalt  }
0x6a: {  	_ =	shalt  }
0x6b: {  	_ =	shalt  }
0x6c: {  	_ =	shalt  }
0x6d: {  	_ =	shalt  }
0x6e: {  	_ =	shalt  }
0x6f: {  	_ =	shalt  }
0x70: {  	_ =	shalt  }
0x71: {  	_ =	shalt  }
0x72: {  	_ =	shalt  }
0x73: {  	_ =	shalt  }
0x74: {  	_ =	shalt  }
0x75: {  	_ =	shalt  }
0x76: {  	_ =	shalt  }
0x77: {  	_ =	shalt  }
0x78: {  	_ =	shalt  }
0x79: {  	_ =	shalt  }
0x7a: {  	_ =	shalt  }
0x7b: {  	_ =	shalt  }
0x7c: {  	_ =	shalt  }
0x7d: {  	_ =	shalt  }
0x7e: {  	_ =	shalt  }
0x7f: {  	_ =	shalt  }
0x80: {  	_ =	shalt  }
0x81: {  	_ =	shalt  }
0x82: {  	_ =	shalt  }
0x83: {  	_ =	shalt  }
0x84: {  	_ =	shalt  }
0x85: {  	_ =	shalt  }
0x86: {  	_ =	shalt  }
0x87: {  	_ =	shalt  }
.Lfunc_end0:
.L_simem_size_0:
called_computation_lowered:
.L_overlay_start_0:
0x88: {  	s2 =	sld [smem:$0x3FD9]  }
0x89: {  	s3 =	sld [smem:$0x3FFE];
	_ =	sdelay $0x1  }
0x8a: {  	s1 =	srdreg.scid  }
0x8b: {  	s0 =	sand.u32 $0x1, s1  }
0x8c: {  	s17 =	sshll.u32 s0, $0xA;
	s2 =	sadd.s32 s3, s2  }
0x8d: {  	s2 =	sadd.s32 s2, s17  }
0x8e: {  	[smem:$0x3FC3] =	sst s2  }
0x8f: {  	_ = 	snop  }
0x90: {  	s2 =	sld [smem:$0x3FD0];
	(tm) =	ssettm $0x1  }
0x91: {  	s18 =	sld [smem:$0x3FFB];
	_ =	sdelay $0x3  }
0x92: {  	_ =	strace s18  }
0x93: {  	s3 =	sld [smem:$0x3FFC];
	_ =	sdelay $0x3  }
0x94: {  	_ =	strace s3  }
0x95: {  	s3 =	sld [smem:$0x3FFD];
	_ =	sdelay $0x3  }
0x96: {  	_ =	strace s3  }
0x97: {  	_ =	strace $0x8FFFFFFF  }
0x98: {  	s19 =	sld [smem:$0x3FDB];
	_ =	sdelay $0x1  }
0x99: {  	s4 =	simm.s32 $_scs_section_size  }
0x9a: {  	s5 =	simm.s32 $_size__tile_overlayer_lowered;
	s6 =	simm.s32 $_tile_overlayer_lowered  }
0x9b: {  	s22 =	simm.s32 $0x1BFF;
	s21 =	sshll.u32 s6, $0x1;
	s3 =	sadd.s32 s4, s19  }
0x9c: {  	s7 =	simm.s32 $0x0;
	s20 =	sshll.u32 s5, $0x1;
	s5 =	sadd.s32 s21, s3  }
0x9d: {  	[timem:s7], [sflag:s22] =	dma.local [hbm:s5], s20  }
0x9e: {  	_ =	swait.ge [sflag:s22], s20  }
0x9f: {  	s4 =	ssub.s32 $0x0, s20;
	[sflag:s22] =	ssyncset.done $0x0  }
0xa0: {  	[sflag:s22] =	ssyncadd.s32 s4;
	_ =	sdelay $0x1  }
0xa1: {  	s23 =	simm.s32 $0x1B8B  }
0xa2: {  	_ =	swait.ge [sflag:s23], $0x1  }
0xa3: {  	[sflag:s23] =	ssyncset.done $0x0  }
0xa4: {  	s25 =	simm.s32 $0x1B8E;
	s24 =	sld [smem:$0x3FFE];
	[sflag:s23] =	ssyncadd.s32 $0xFFFFFFFF  }
0xa5: {  	s26 =	simm.s32 $execute0_lowered;
	[smem:$0x3FD2] =	sst s25  }
0xa6: {  	s5 =	sshll.u32 s26, $0x1;
	_ =	strace $0x80000046;
	[dreg:$0x1] =	wrdreg $0xFFFFFFFF  }
0xa7: {  	s28 =	simm.s32 $_size_execute0_lowered;
	s3 =	sadd.s32 s3, s5;
	[dreg:$0x0] =	wrdreg $0x0  }
0xa8: {  	s5 =	sshll.u32 s28, $0x1;
	[dreg:$0x2] =	wrdreg s3  }
0xa9: {  	[dreg:$0x3] =	wrdreg s5  }
0xaa: {  	[dreg:$0x4] =	wrdreg $0xC0  }
0xab: {  	_ =	task [dreg:s7], $0x5FFFF  }
0xac: {  	[dreg:$0x1] =	wrdreg $0xFFFFFFFF  }
0xad: {  	[dreg:$0x0] =	wrdreg $0x60  }
0xae: {  	[dreg:$0x2] =	wrdreg s24  }
0xaf: {  	[dreg:$0x3] =	wrdreg s2  }
0xb0: {  	[dreg:$0x4] =	wrdreg $0xA8000  }
0xb1: {  	[dreg:$0x5] =	wrdreg $0x9  }
0xb2: {  	_ =	task.clear_ibuf [dreg:s7], $0x6FFFF;
	_ =	strace $0x90000046  }
0xb3: {  	s29 =	simm.s32 $0x9;
	_ =	strace $0x80000048  }
0xb4: {  	_ =	swait.ge [sflag:s29], $0x1  }
0xb5: {  	[sflag:s29] =	ssyncadd.s32 $0xFFFFFFFF  }
0xb6: {  	_ =	strace $0x90000048  }
0xb7: {  	_ =	sfence  }
0xb8: {  	s30 =	sld [smem:$0x0];
	_ =	sdelay $0x2  }
0xb9: {  	s31 =	sshll.u32 s1, $0xD;
	s1 =	sshrl.u32 s1, $0x2  }
0xba: {  	s3 =	sand.u32 $0x4000, s31;
	s1 =	sadd.s32 s1, s30  }
0xbb: {  	s0 =	sor.u32 s3, s0;
	s1 =	sshll.u32 s1, $0x11  }
0xbc: {  	s0 =	sor.u32 s1, s0  }
0xbd: {  	s0 =	sadd.s32 $0x8F2B, s0  }
0xbe: {  	[sflag:s0] =	ssyncadd.remote.s32 $0x1  }
0xbf: {  	_ =	sfence.sel $0xFFFF  }
0xc0: {  	[dreg:$0x0] =	wrdreg $0xFFFFFFFF;
	(pc) =	sbr.abs _section_cstart, $3  }
0xc1: {  	[dreg:$0x1] =	wrdreg $0xFFFFFFFF  }
0xc2: {  	_ =	task.clear_ibuf [dreg:s7], $0x2FFFF;
	_ =	strace $0x9FFFFFFF  }
0xc3: {  	(tm) =	ssettm $0x7FFFFFFF  }
tec
execute0_lowered:
.L_overlay_start_1:
0x0: {  	(tag) =	ssettag $0x1  }
0x1: {  	s0 =	rddreg [dreg:$0x0]  }
0x2: {  	s1 =	rddreg [dreg:$0x1]  }
0x3: {  	s2 =	rddreg [dreg:$0x2]  }
0x4: {  	s11 =	stileid.u32;
	s3 =	srdreg.scid  }
0x5: {  	s4 =	simm.s32 $0x0;
	s14 =	simm.s32 $0x5;
	s15 =	simm.s32 $0x1400  }
0x6: {  	s16 =	simm.s32 $0x40;
	s17 =	simm.s32 $0x2800;
	s18 =	simm.s32 $0x1440  }
0x7: {  	s19 =	simm.s32 $0x4800;
	s28 =	simm.s32 $0x2;
	s29 =	simm.s32 $0x4  }
0x8: {  	s30 =	simm.s32 $0x1300;
	s31 =	simm.s32 $0x1380;
	s5 =	smul.u32 $0x14000, s11  }
0x9: {  	s3 =	sand.u32 $0x1, s3;
	[smem:$0x7FF] =	sst s4;
	s4 =	sadd.s32 $0x1400, s0  }
0xa: {  	s10 =	sadd.s32 $0x139C00, s0;
	s8 =	smul.u32 $0x50000, s11;
	s25 =	sshll.u32 s11, $0x6  }
0xb: {  	s6 =	smul.u32 $0x140000, s3;
	_ =	strace $0x80000047;
	s20 =	sshll.u32 s3, $0x4  }
0xc: {  	s3 =	ssub.s32 $0x2, s3;
	s7 =	sshrl.u32 s5, $0x3;
	s21 =	sor.u32 s11, s20  }
0xd: {  	s22 =	sshrl.u32 s3, $0x1;
	s8 =	sshrl.u32 s8, $0x2;
	s20 =	simm.s32 $0x1480  }
0xe: {  	s7 =	sadd.s32 s7, s0;
	s5 =	sadd.s32 s5, s6;
	s9 =	smul.u32 $0x2800, s21  }
0xf: {  	s3 =	ssub.s32 s3, s22;
	s13 =	sadd.s32 s8, s2;
	s23 =	smul.u32 $0x500, s21  }
0x10: {  	s6 =	sor.u32 $0x1C05, s25;
	s21 =	simm.s32 $0x6800;
	s22 =	simm.s32 $0x14C0  }
0x11: {  	s25 =	simm.s32 $0x3;
	s5 =	sshrl.u32 s5, $0x3;
	s24 =	sadd.s32 $0x143C00, s7  }
0x12: {  	s12 =	smax.u32 s3, $0x1;
	s13 =	sshrl.u32 s13, $0x3;
	s0 =	sadd.s32 s5, s0  }
0x13: {  	[dreg:$0x4] =	wrdreg s24;
	s9 =	sshrl.u32 s9, $0x3;
	s7 =	sadd.s32 s1, s23  }
0x14: {  	s8 =	sadd.s32 s10, s23;
	s23 =	simm.s32 $0x8800;
	s24 =	simm.s32 $0x1  }
0x15: {  	s26 =	sadd.s32 $0x280, s9;
	s11 =	sadd.s32 $0x16BC00, s0;
	s0 =	simm.s32 $0x0  }
0x16: {  	s9 =	sadd.s32 s1, s26;
	s10 =	sadd.s32 s10, s26;
	s26 =	simm.s32 $0x80  }
.LBB2_1:
0x17: {  	s1 =	rddreg [dreg:$0x4]  }
0x18: {  	[spmem:s13], [sflag:s6] =	dma.local [hbm:s1], $0x2800  }
0x19: {  	_ =	swait.ge [sflag:s14], $0x2800  }
0x1a: {  	[sflag:s14] =	ssyncset.done $0x0  }
0x1b: {  	[sflag:s14] =	ssyncadd.s32 $0xFFFFD800  }
0x1c: {  	s3 =	simm.s32 $0x0;
	[bflag:$0x0] =	sbarrier.arrive $0xFFFF  }
0x1d: {  	[tilespmem:s3], [sflag:$0x5] =	stream.linear.gather [hbm4b:s7+s3], $0x1400, $0x38;
	[tilespmem:$0x1E800] =	vst v63  }
0x1e: {  	_ =	swait.ge [sflag:s14], $0x1400  }
0x1f: {  	[sflag:s14] =	ssyncset.done $0x0  }
0x20: {  	[sflag:s14] =	ssyncadd.s32 $0xFFFFEC00  }
0x21: {  	[tilespmem:s15], [sflag:$0x5] =	stream.linear.gather [hbm4b:s8+s3], $0x1400, $0x38;
	[tilespmem:$0x1E800] =	vst v63  }
0x22: {  	_ =	swait.ge [sflag:s14], $0x1400  }
0x23: {  	[sflag:s14] =	ssyncset.done $0x0  }
0x24: {  	[sflag:s14] =	ssyncadd.s32 $0xFFFFEC00  }
0x25: {  	[tilespmem:s17], [sflag:$0x1] =	stream.indirect.gather [hbm4b:s4+s16], $0x80, s15, s16, $0xb8;
	[tilespmem:$0x1E800] =	vst v63  }
0x26: {  	_ = 	snop  }
0x27: {  	[tilespmem:s19], [sflag:$0x3] =	stream.indirect.gather [hbm4b:s4+s16], $0x80, s18, s16, $0xb8;
	[tilespmem:$0x1E800] =	vst v63  }
0x28: {  	_ = 	snop  }
0x29: {  	[tilespmem:s21], [sflag:$0x2] =	stream.indirect.gather [hbm4b:s4+s16], $0x80, s20, s16, $0xb8;
	[tilespmem:$0x1E800] =	vst v63  }
0x2a: {  	_ = 	snop  }
0x2b: {  	[tilespmem:s23], [sflag:$0x4] =	stream.indirect.gather [hbm4b:s4+s16], $0x80, s22, s16, $0xb8;
	[tilespmem:$0x1E800] =	vst v63  }
0x2c: {  	_ =	swait.ge [sflag:s24], $0x2000  }
0x2d: {  	[sflag:s24] =	ssyncset.done $0x0  }
0x2e: {  	[sflag:s24] =	ssyncadd.s32 $0xFFFFE000  }
0x2f: {  	_ =	swait.ge [sflag:s25], $0x2000  }
0x30: {  	[sflag:s25] =	ssyncset.done $0x0  }
0x31: {  	s5 =	simm.s32 $0x0;
	[sflag:s25] =	ssyncadd.s32 $0xFFFFE000  }
0x32: {  	[spmem:s2] =	stream.indirect.scatter.add.f32 [tilespmem:s17], [sflag:$0x5], $0x80, s5, s26, $0xb8;
	[tilespmem:$0x1E800] =	vst v63  }
0x33: {  	_ =	swait.ge [sflag:s14], $0x4000  }
0x34: {  	[sflag:s14] =	ssyncset.done $0x0  }
0x35: {  	s3 =	simm.s32 $0x1500;
	[sflag:s14] =	ssyncadd.s32 $0xFFFFC000  }
0x36: {  	[tilespmem:s17], [sflag:$0x1] =	stream.indirect.gather [hbm4b:s4+s16], $0x80, s3, s16, $0xb8;
	[tilespmem:$0x1E800] =	vst v63  }
0x37: {  	s5 =	simm.s32 $0x1540  }
0x38: {  	[tilespmem:s19], [sflag:$0x3] =	stream.indirect.gather [hbm4b:s4+s16], $0x80, s5, s16, $0xb8;
	[tilespmem:$0x1E800] =	vst v63  }
0x39: {  	_ =	swait.ge [sflag:s28], $0x2000  }
0x3a: {  	[sflag:s28] =	ssyncset.done $0x0  }
0x3b: {  	[sflag:s28] =	ssyncadd.s32 $0xFFFFE000  }
0x3c: {  	_ =	swait.ge [sflag:s29], $0x2000  }
0x3d: {  	[sflag:s29] =	ssyncset.done $0x0  }
0x3e: {  	s3 =	simm.s32 $0x80;
	[sflag:s29] =	ssyncadd.s32 $0xFFFFE000  }
0x3f: {  	[spmem:s2] =	stream.indirect.scatter.add.f32 [tilespmem:s21], [sflag:$0x5], $0x80, s3, s26, $0xb8;
	[tilespmem:$0x1E800] =	vst v63  }
0x40: {  	_ =	swait.ge [sflag:s14], $0x4000  }
0x41: {  	s1 =	simm.s32 $0x400;
	[sflag:s14] =	ssyncset.done $0x0  }
0x42: {  	s5 =	simm.s32 $0x1580;
	s3 =	simm.s32 $0x15C0;
	[sflag:s14] =	ssyncadd.s32 $0xFFFFC000  }
0x43: {  	[tilespmem:s21], [sflag:$0x2] =	stream.indirect.gather [hbm4b:s4+s16], $0x80, s5, s16, $0xb8;
	[tilespmem:$0x1E800] =	vst v63  }
.LBB2_2:
0x44: {  	[tilespmem:s23], [sflag:$0x4] =	stream.indirect.gather [hbm4b:s4+s16], $0x80, s3, s16, $0xb8;
	[tilespmem:$0x1E800] =	vst v63  }
0x45: {  	s3 =	smov.u32 s1  }
0x46: {  	p0 =	sne.s32 s1, $0x4800;
	s1 =	sadd.s32 $0x400, s1;
	_ =	swait.ge [sflag:s24], $0x2000  }
0x47: {  	[sflag:s24] =	ssyncset.done $0x0  }
0x48: {  	[sflag:s24] =	ssyncadd.s32 $0xFFFFE000  }
0x49: {  	_ =	swait.ge [sflag:s25], $0x2000  }
0x4a: {  	[sflag:s25] =	ssyncset.done $0x0  }
0x4b: {  	s3 =	sshra.s32 s3, $0x2;
	[sflag:s25] =	ssyncadd.s32 $0xFFFFE000  }
0x4c: {  	[spmem:s2] =	stream.indirect.scatter.add.f32 [tilespmem:s17], [sflag:$0x5], $0x80, s3, s26, $0xb8;
	[tilespmem:$0x1E800] =	vst v63  }
0x4d: {  	_ =	swait.ge [sflag:s14], $0x4000  }
0x4e: {  	[sflag:s14] =	ssyncset.done $0x0  }
0x4f: {  	s5 =	sadd.s32 $0x1500, s3;
	[sflag:s14] =	ssyncadd.s32 $0xFFFFC000  }
0x50: {  	[tilespmem:s17], [sflag:$0x1] =	stream.indirect.gather [hbm4b:s4+s16], $0x80, s5, s16, $0xb8;
	[tilespmem:$0x1E800] =	vst v63  }
0x51: {  	s5 =	sadd.s32 $0x1540, s3  }
0x52: {  	[tilespmem:s19], [sflag:$0x3] =	stream.indirect.gather [hbm4b:s4+s16], $0x80, s5, s16, $0xb8;
	[tilespmem:$0x1E800] =	vst v63  }
0x53: {  	_ =	swait.ge [sflag:s28], $0x2000  }
0x54: {  	[sflag:s28] =	ssyncset.done $0x0  }
0x55: {  	[sflag:s28] =	ssyncadd.s32 $0xFFFFE000  }
0x56: {  	_ =	swait.ge [sflag:s29], $0x2000  }
0x57: {  	[sflag:s29] =	ssyncset.done $0x0  }
0x58: {  	s5 =	sadd.s32 $0x80, s3;
	[sflag:s29] =	ssyncadd.s32 $0xFFFFE000  }
0x59: {  	[spmem:s2] =	stream.indirect.scatter.add.f32 [tilespmem:s21], [sflag:$0x5], $0x80, s5, s26, $0xb8;
	[tilespmem:$0x1E800] =	vst v63  }
.Ltmp0:
0x5a: {  	_ =	swait.ge [sflag:s14], $0x4000;
	(pc) =	sbr.rel @p0 .LBB2_2-.Ltmp0, $4  }
0x5b: {  	[sflag:s14] =	ssyncset.done $0x0  }
0x5c: {  	s5 =	sadd.s32 $0x1580, s3;
	[sflag:s14] =	ssyncadd.s32 $0xFFFFC000  }
0x5d: {  	[tilespmem:s21], [sflag:$0x2] =	stream.indirect.gather [hbm4b:s4+s16], $0x80, s5, s16, $0xb8;
	[tilespmem:$0x1E800] =	vst v63  }
0x5e: {  	s3 =	sadd.s32 $0x15C0, s3  }
0x5f: {  	[tilespmem:s23], [sflag:$0x4] =	stream.indirect.gather [hbm4b:s4+s16], $0x80, s3, s16, $0xb8;
	[tilespmem:$0x1E800] =	vst v63  }
0x60: {  	_ =	swait.ge [sflag:s24], $0x2000  }
0x61: {  	[sflag:s24] =	ssyncset.done $0x0  }
0x62: {  	[sflag:s24] =	ssyncadd.s32 $0xFFFFE000  }
0x63: {  	_ =	swait.ge [sflag:s25], $0x2000  }
0x64: {  	[sflag:s25] =	ssyncset.done $0x0  }
0x65: {  	[sflag:s25] =	ssyncadd.s32 $0xFFFFE000  }
0x66: {  	[spmem:s2] =	stream.indirect.scatter.add.f32 [tilespmem:s17], [sflag:$0x5], $0x80, s30, s26, $0xb8;
	[tilespmem:$0x1E800] =	vst v63  }
0x67: {  	_ =	swait.ge [sflag:s14], $0x4000  }
0x68: {  	[sflag:s14] =	ssyncset.done $0x0  }
0x69: {  	[sflag:s14] =	ssyncadd.s32 $0xFFFFC000  }
0x6a: {  	_ =	swait.ge [sflag:s28], $0x2000  }
0x6b: {  	[sflag:s28] =	ssyncset.done $0x0  }
0x6c: {  	[sflag:s28] =	ssyncadd.s32 $0xFFFFE000  }
0x6d: {  	_ =	swait.ge [sflag:s29], $0x2000  }
0x6e: {  	[sflag:s29] =	ssyncset.done $0x0  }
0x6f: {  	[sflag:s29] =	ssyncadd.s32 $0xFFFFE000  }
0x70: {  	[spmem:s2] =	stream.indirect.scatter.add.f32 [tilespmem:s21], [sflag:$0x5], $0x80, s31, s26, $0xb8;
	[tilespmem:$0x1E800] =	vst v63  }
0x71: {  	_ =	swait.ge [sflag:s14], $0x4000  }
0x72: {  	[sflag:s14] =	ssyncset.done $0x0  }
0x73: {  	s1 =	simm.s32 $0x0;
	[sflag:s14] =	ssyncadd.s32 $0xFFFFC000  }
0x74: {  	[tilespmem:s1], [sflag:$0x5] =	stream.linear.gather [hbm4b:s9+s1], $0x1400, $0x38;
	[tilespmem:$0x1E800] =	vst v63  }
0x75: {  	_ =	swait.ge [sflag:s14], $0x1400  }
0x76: {  	[sflag:s14] =	ssyncset.done $0x0  }
0x77: {  	[sflag:s14] =	ssyncadd.s32 $0xFFFFEC00  }
0x78: {  	[tilespmem:s15], [sflag:$0x5] =	stream.linear.gather [hbm4b:s10+s1], $0x1400, $0x38;
	[tilespmem:$0x1E800] =	vst v63  }
0x79: {  	_ =	swait.ge [sflag:s14], $0x1400  }
0x7a: {  	[sflag:s14] =	ssyncset.done $0x0  }
0x7b: {  	[sflag:s14] =	ssyncadd.s32 $0xFFFFEC00  }
0x7c: {  	[tilespmem:s17], [sflag:$0x1] =	stream.indirect.gather [hbm4b:s4+s16], $0x80, s15, s16, $0xb8;
	[tilespmem:$0x1E800] =	vst v63  }
0x7d: {  	_ = 	snop  }
0x7e: {  	[tilespmem:s19], [sflag:$0x3] =	stream.indirect.gather [hbm4b:s4+s16], $0x80, s18, s16, $0xb8;
	[tilespmem:$0x1E800] =	vst v63  }
0x7f: {  	_ = 	snop  }
0x80: {  	[tilespmem:s21], [sflag:$0x2] =	stream.indirect.gather [hbm4b:s4+s16], $0x80, s20, s16, $0xb8;
	[tilespmem:$0x1E800] =	vst v63  }
0x81: {  	_ = 	snop  }
0x82: {  	[tilespmem:s23], [sflag:$0x4] =	stream.indirect.gather [hbm4b:s4+s16], $0x80, s22, s16, $0xb8;
	[tilespmem:$0x1E800] =	vst v63  }
0x83: {  	_ =	swait.ge [sflag:s24], $0x2000  }
0x84: {  	[sflag:s24] =	ssyncset.done $0x0  }
0x85: {  	[sflag:s24] =	ssyncadd.s32 $0xFFFFE000  }
0x86: {  	_ =	swait.ge [sflag:s25], $0x2000  }
0x87: {  	[sflag:s25] =	ssyncset.done $0x0  }
0x88: {  	s5 =	simm.s32 $0x0;
	[sflag:s25] =	ssyncadd.s32 $0xFFFFE000  }
0x89: {  	[spmem:s2] =	stream.indirect.scatter.add.f32 [tilespmem:s17], [sflag:$0x5], $0x80, s5, s26, $0xb8;
	[tilespmem:$0x1E800] =	vst v63  }
0x8a: {  	_ =	swait.ge [sflag:s14], $0x4000  }
0x8b: {  	[sflag:s14] =	ssyncset.done $0x0  }
0x8c: {  	s3 =	simm.s32 $0x1500;
	[sflag:s14] =	ssyncadd.s32 $0xFFFFC000  }
0x8d: {  	[tilespmem:s17], [sflag:$0x1] =	stream.indirect.gather [hbm4b:s4+s16], $0x80, s3, s16, $0xb8;
	[tilespmem:$0x1E800] =	vst v63  }
0x8e: {  	s5 =	simm.s32 $0x1540  }
0x8f: {  	[tilespmem:s19], [sflag:$0x3] =	stream.indirect.gather [hbm4b:s4+s16], $0x80, s5, s16, $0xb8;
	[tilespmem:$0x1E800] =	vst v63  }
0x90: {  	_ =	swait.ge [sflag:s28], $0x2000  }
0x91: {  	[sflag:s28] =	ssyncset.done $0x0  }
0x92: {  	[sflag:s28] =	ssyncadd.s32 $0xFFFFE000  }
0x93: {  	_ =	swait.ge [sflag:s29], $0x2000  }
0x94: {  	[sflag:s29] =	ssyncset.done $0x0  }
0x95: {  	s3 =	simm.s32 $0x80;
	[sflag:s29] =	ssyncadd.s32 $0xFFFFE000  }
0x96: {  	[spmem:s2] =	stream.indirect.scatter.add.f32 [tilespmem:s21], [sflag:$0x5], $0x80, s3, s26, $0xb8;
	[tilespmem:$0x1E800] =	vst v63  }
0x97: {  	_ =	swait.ge [sflag:s14], $0x4000  }
0x98: {  	s1 =	simm.s32 $0x400;
	[sflag:s14] =	ssyncset.done $0x0  }
0x99: {  	s5 =	simm.s32 $0x1580;
	s3 =	simm.s32 $0x15C0;
	[sflag:s14] =	ssyncadd.s32 $0xFFFFC000  }
0x9a: {  	[tilespmem:s21], [sflag:$0x2] =	stream.indirect.gather [hbm4b:s4+s16], $0x80, s5, s16, $0xb8;
	[tilespmem:$0x1E800] =	vst v63  }
.LBB2_4:
0x9b: {  	[tilespmem:s23], [sflag:$0x4] =	stream.indirect.gather [hbm4b:s4+s16], $0x80, s3, s16, $0xb8;
	[tilespmem:$0x1E800] =	vst v63  }
0x9c: {  	s3 =	smov.u32 s1  }
0x9d: {  	p0 =	sne.s32 s1, $0x4800;
	s1 =	sadd.s32 $0x400, s1;
	_ =	swait.ge [sflag:s24], $0x2000  }
0x9e: {  	[sflag:s24] =	ssyncset.done $0x0  }
0x9f: {  	[sflag:s24] =	ssyncadd.s32 $0xFFFFE000  }
0xa0: {  	_ =	swait.ge [sflag:s25], $0x2000  }
0xa1: {  	[sflag:s25] =	ssyncset.done $0x0  }
0xa2: {  	s3 =	sshra.s32 s3, $0x2;
	[sflag:s25] =	ssyncadd.s32 $0xFFFFE000  }
0xa3: {  	[spmem:s2] =	stream.indirect.scatter.add.f32 [tilespmem:s17], [sflag:$0x5], $0x80, s3, s26, $0xb8;
	[tilespmem:$0x1E800] =	vst v63  }
0xa4: {  	_ =	swait.ge [sflag:s14], $0x4000  }
0xa5: {  	[sflag:s14] =	ssyncset.done $0x0  }
0xa6: {  	s5 =	sadd.s32 $0x1500, s3;
	[sflag:s14] =	ssyncadd.s32 $0xFFFFC000  }
0xa7: {  	[tilespmem:s17], [sflag:$0x1] =	stream.indirect.gather [hbm4b:s4+s16], $0x80, s5, s16, $0xb8;
	[tilespmem:$0x1E800] =	vst v63  }
0xa8: {  	s5 =	sadd.s32 $0x1540, s3  }
0xa9: {  	[tilespmem:s19], [sflag:$0x3] =	stream.indirect.gather [hbm4b:s4+s16], $0x80, s5, s16, $0xb8;
	[tilespmem:$0x1E800] =	vst v63  }
0xaa: {  	_ =	swait.ge [sflag:s28], $0x2000  }
0xab: {  	[sflag:s28] =	ssyncset.done $0x0  }
0xac: {  	[sflag:s28] =	ssyncadd.s32 $0xFFFFE000  }
0xad: {  	_ =	swait.ge [sflag:s29], $0x2000  }
0xae: {  	[sflag:s29] =	ssyncset.done $0x0  }
0xaf: {  	s5 =	sadd.s32 $0x80, s3;
	[sflag:s29] =	ssyncadd.s32 $0xFFFFE000  }
0xb0: {  	[spmem:s2] =	stream.indirect.scatter.add.f32 [tilespmem:s21], [sflag:$0x5], $0x80, s5, s26, $0xb8;
	[tilespmem:$0x1E800] =	vst v63  }
.Ltmp1:
0xb1: {  	_ =	swait.ge [sflag:s14], $0x4000;
	(pc) =	sbr.rel @p0 .LBB2_4-.Ltmp1, $4  }
0xb2: {  	[sflag:s14] =	ssyncset.done $0x0  }
0xb3: {  	s5 =	sadd.s32 $0x1580, s3;
	[sflag:s14] =	ssyncadd.s32 $0xFFFFC000  }
0xb4: {  	[tilespmem:s21], [sflag:$0x2] =	stream.indirect.gather [hbm4b:s4+s16], $0x80, s5, s16, $0xb8;
	[tilespmem:$0x1E800] =	vst v63  }
0xb5: {  	s3 =	sadd.s32 $0x15C0, s3  }
0xb6: {  	[tilespmem:s23], [sflag:$0x4] =	stream.indirect.gather [hbm4b:s4+s16], $0x80, s3, s16, $0xb8;
	[tilespmem:$0x1E800] =	vst v63  }
0xb7: {  	_ =	swait.ge [sflag:s24], $0x2000  }
0xb8: {  	[sflag:s24] =	ssyncset.done $0x0  }
0xb9: {  	[sflag:s24] =	ssyncadd.s32 $0xFFFFE000  }
0xba: {  	_ =	swait.ge [sflag:s25], $0x2000  }
0xbb: {  	[sflag:s25] =	ssyncset.done $0x0  }
0xbc: {  	[sflag:s25] =	ssyncadd.s32 $0xFFFFE000  }
0xbd: {  	[spmem:s2] =	stream.indirect.scatter.add.f32 [tilespmem:s17], [sflag:$0x5], $0x80, s30, s26, $0xb8;
	[tilespmem:$0x1E800] =	vst v63  }
0xbe: {  	_ =	swait.ge [sflag:s14], $0x4000  }
0xbf: {  	[sflag:s14] =	ssyncset.done $0x0  }
0xc0: {  	[sflag:s14] =	ssyncadd.s32 $0xFFFFC000  }
0xc1: {  	_ =	swait.ge [sflag:s28], $0x2000  }
0xc2: {  	[sflag:s28] =	ssyncset.done $0x0  }
0xc3: {  	[sflag:s28] =	ssyncadd.s32 $0xFFFFE000  }
0xc4: {  	_ =	swait.ge [sflag:s29], $0x2000  }
0xc5: {  	[sflag:s29] =	ssyncset.done $0x0  }
0xc6: {  	[sflag:s29] =	ssyncadd.s32 $0xFFFFE000  }
0xc7: {  	[spmem:s2] =	stream.indirect.scatter.add.f32 [tilespmem:s21], [sflag:$0x5], $0x80, s31, s26, $0xb8;
	[tilespmem:$0x1E800] =	vst v63  }
0xc8: {  	_ =	swait.ge [sflag:s14], $0x4000  }
0xc9: {  	s0 =	sadd.s32 $0x1, s0;
	[sflag:s14] =	ssyncset.done $0x0  }
0xca: {  	p0 =	sne.s32 s0, s12;
	[sflag:s14] =	ssyncadd.s32 $0xFFFFC000  }
.Ltmp2:
0xcb: {  	[bflag:$0x0] =	sbarrier.arrive $0xFFFF;
	(pc) =	sbr.rel @p0 .LBB2_1-.Ltmp2, $4  }
0xcc: {  	[hbm:s11], [sflag:s6] =	dma.local [spmem:s13], $0x2800  }
0xcd: {  	_ =	swait.ge [sflag:s14], $0x2800  }
0xce: {  	[sflag:s14] =	ssyncset.done $0x0  }
0xcf: {  	[sflag:s14] =	ssyncadd.s32 $0xFFFFD800  }
0xd0: {  	_ =	sfence.sel $0x180000  }
0xd1: {  	[bflag:$0x0] =	sbarrier.arrive $0xFFFF  }
0xd2: {  	_ =	strace $0x90000047  }
0xd3: {  	s0 =	stileid.u32;
	[bflag:$0x2] =	sbarrier.arrive $0xFFFF  }
0xd4: {  	p0 =	sne.s32 s0, $0x0;
	s0 =	rddreg [dreg:$0x3]  }
0xd5: {  	s0 =	sadd.s32 @!p0 $0x100000, s0  }
0xd6: {  	[sflag:s0] =	ssyncadd.tile.s32 @!p0 $0x1;
	_ =	shalt  }
.Lfunc_end2:
_tile_overlayer_lowered:
.L_overlay_start_2:
0xd7: {  	(tag) =	ssettag $0x2  }
0xd8: {  	s0 =	rddreg [dreg:$0x0];
	s2 =	stileid.u32  }
0xd9: {  	s1 =	rddreg [dreg:$0x1];
	p0 =	sne.s32 s2, $0x0  }
0xda: {  	s3 =	rddreg [dreg:$0x2];
	[bflag:$0x3] =	sbarrier.arrive $0xFFFF;
	s2 =	simm.s32 @!p0 $0x1C05  }
0xdb: {  	[timem:s3], [sflag:s2] =	dma.local @!p0 [hbm:s0], s1  }
0xdc: {  	s0 =	simm.s32 @!p0 $0x5  }
0xdd: {  	_ =	swait.ge @!p0 [sflag:s0], s1  }
0xde: {  	s1 =	ssub.s32 @!p0 $0x0, s1;
	[sflag:s0] =	ssyncset.done @!p0 $0x0  }
0xdf: {  	[sflag:s0] =	ssyncadd.s32 @!p0 s1  }
0xe0: {  	[bflag:$0x3] =	sbarrier.arrive $0xFFFF  }
0xe1: {  	_ =	shalt  }

</sc_bundles>
